<compile_context>
chip_gen: v7x
topology: tpu7x:2x2x1
jax: 0.10.2.dev20260603
libtpu: 0.0.44.dev20260713+nightly
codegen_flags: <defaults>
</compile_context>

<pallas_src>
import jax
import jax.numpy as jnp
from jax import lax
from jax.experimental import pallas as pl
from jax.experimental.pallas import tpu as pltpu
from jax.experimental.pallas import tpu_sc as plsc

EMBED_DIM = 32
NUM_CORES = 2
NUM_SUBCORES = 16
NUM_WORKERS = NUM_CORES * NUM_SUBCORES
VOCAB = 1000000

CHUNK = 1024
NBUF = 3

TBLK = 32768


def _tc_transpose_body(embT_ref, t4_ref):
    y = embT_ref[...].T
    for a in range(4):
        t4_ref[:, pl.ds(32 * a, 32)] = lax.slice(
            y, (a * (TBLK // 4), 0), ((a + 1) * (TBLK // 4), 32)
        )


def _gather_body(idx_hbm, table_hbm, out_hbm, idx_v, rows_v, *sems):
    gsems, ssems = sems[:NBUF], sems[NBUF:]
    n_chunks = idx_hbm.shape[0] // (NUM_WORKERS * CHUNK)
    wid = lax.axis_index("s") * NUM_CORES + lax.axis_index("c")
    base = wid * (n_chunks * CHUNK)
    gathers = [None] * n_chunks
    stores = [None] * n_chunks

    def start_gather(c):
        b = c % NBUF
        pltpu.sync_copy(idx_hbm.at[pl.ds(base + c * CHUNK, CHUNK)], idx_v.at[b])
        gathers[c] = pltpu.async_copy(
            table_hbm.at[idx_v.at[b]], rows_v.at[b], gsems[b]
        )

    start_gather(0)
    for c in range(n_chunks):
        b = c % NBUF
        if c + 1 < n_chunks:
            if c + 1 >= NBUF:
                stores[c + 1 - NBUF].wait()
            start_gather(c + 1)
        gathers[c].wait()
        stores[c] = pltpu.async_copy(
            rows_v.at[b], out_hbm.at[pl.ds(base + c * CHUNK, CHUNK)], ssems[b]
        )
    for c in range(max(0, n_chunks - NBUF), n_chunks):
        stores[c].wait()


def _embed_lookup(idx_flat, table):
    n = idx_flat.shape[0]
    mesh = plsc.VectorSubcoreMesh(core_axis_name="c", subcore_axis_name="s")
    n_blocks = (VOCAB + TBLK - 1) // TBLK
    t4 = pl.pallas_call(
        _tc_transpose_body,
        grid=(n_blocks,),
        in_specs=[pl.BlockSpec((32, TBLK), lambda j: (0, j))],
        out_specs=pl.BlockSpec((TBLK // 4, 128), lambda j: (j, 0)),
        out_shape=jax.ShapeDtypeStruct((n_blocks * TBLK // 4, 128), jnp.float32),
    )(table.T)
    t_lin = t4.reshape(n_blocks * TBLK, EMBED_DIM)
    return pl.kernel(
        _gather_body,
        out_type=jax.ShapeDtypeStruct((n, EMBED_DIM), jnp.float32),
        mesh=mesh,
        scratch_types=[
            pltpu.VMEM((NBUF, CHUNK), jnp.int32),
            pltpu.VMEM((NBUF, CHUNK, EMBED_DIM), jnp.float32),
        ]
        + [pltpu.SemaphoreType.DMA] * (2 * NBUF),
        compiler_params=pltpu.CompilerParams(use_tc_tiling_on_sc=False),
    )(idx_flat, t_lin)


def kernel(embedding_input, embedding):
    batch, hist = embedding_input.shape
    idx = embedding_input.reshape(-1).astype(jnp.int32)
    slot = (idx & ~32767) | ((idx & 8191) << 2) | ((idx >> 13) & 3)
    out = _embed_lookup(slot, embedding)
    return out.reshape(batch, hist, EMBED_DIM)

# --- scband reference (transcript-rebuilt; emitter-appended) ---
"""Pipeline reference for scband-embed-15101105013429 (READ-ONLY COPY).

The authoritative reference and input builder live on the scoring server;
editing this copy changes nothing except your own understanding.
"""

import jax, jax.numpy as jnp
import numpy as np

NUM_EMBEDDINGS = 1000000
EMBEDDING_DIM = 32
BATCH = 16384
HIST_LEN = 20


def setup_inputs(seed: int = 0) -> dict:
    key = jax.random.key(seed)
    k_idx, k_emb = jax.random.split(key)
    embedding_input = jax.random.randint(k_idx, (BATCH, HIST_LEN), 0, NUM_EMBEDDINGS, dtype=jnp.int64 if jax.config.jax_enable_x64 else jnp.int32)
    embedding = jax.random.normal(k_emb, (NUM_EMBEDDINGS, EMBEDDING_DIM), dtype=jnp.float32) * 0.02
    return {"embedding_input": embedding_input, "embedding": embedding}


def reference(embedding_input, embedding):
    # Faithful translation of Embed.__call__: gather rows of the embedding
    # table along the last (index) dimension, then cast to output dtype.
    return jnp.asarray(jnp.take(embedding, embedding_input, axis=0), dtype=jnp.float32)

if __name__ == "__main__":
    import jax
    _d = setup_inputs()
    print(jax.jit(kernel)(*tuple(_d.values())))

</pallas_src>

<mosaic_0001>
#map = affine_map<(d0, d1) -> (0)>
#map1 = affine_map<(d0, d1) -> (0, 0)>
module attributes {stable_mosaic.version = 14 : i64} {
  func.func @_gather_body(%arg0: i32, %arg1: i32, %arg2: memref<327680xi32, #tpu.memory_space<hbm>>, %arg3: memref<1015808x32xf32, #tpu.memory_space<hbm>>, %arg4: memref<327680x32xf32, #tpu.memory_space<hbm>>, %arg5: memref<3x1024xi32, #tpu.memory_space<vmem>>, %arg6: memref<3x1024x32xf32, #tpu.memory_space<vmem>>, %arg7: memref<!tpu.dma_semaphore, #tpu.memory_space<semaphore_mem>>, %arg8: memref<!tpu.dma_semaphore, #tpu.memory_space<semaphore_mem>>, %arg9: memref<!tpu.dma_semaphore, #tpu.memory_space<semaphore_mem>>, %arg10: memref<!tpu.dma_semaphore, #tpu.memory_space<semaphore_mem>>, %arg11: memref<!tpu.dma_semaphore, #tpu.memory_space<semaphore_mem>>, %arg12: memref<!tpu.dma_semaphore, #tpu.memory_space<semaphore_mem>>) attributes {dimension_semantics = [#tpu.dimension_semantics<core_parallel>, #tpu.dimension_semantics<subcore_parallel>], iteration_bounds = array<i64: 2, 16>, scalar_prefetch = 0 : i64, scratch_operands = 8 : i64, tpu.core_type = #tpu.core_type<sc_vector_subcore>, window_params = [{transform_indices = #map}, {transform_indices = #map1}, {transform_indices = #map1}]} {
    %mul3A = arith.constant 2 : i32
    %mul3A_0 = arith.muli %arg1, %mul3A : i32
    %add3A = arith.addi %mul3A_0, %arg0 : i32
    %mul3A_1 = arith.constant 10240 : i32
    %mul3A_2 = arith.muli %add3A, %mul3A_1 : i32
    %add3A_3 = arith.constant 0 : i32
    %add3A_4 = arith.addi %mul3A_2, %add3A_3 : i32
    %run_scoped3A = arith.constant 0 : i32
    "tpu.region"() ({
      %run_scoped3A_550 = tpu.sem_alloc : memref<!tpu.dma_semaphore, #tpu.memory_space<semaphore_mem>>
      %dma_start3A_551 = arith.constant 0 : i32
      %dma_start3A_552 = tpu.memref_slice %arg5[%run_scoped3A, %dma_start3A_551] : memref<3x1024xi32, #tpu.memory_space<vmem>> -> memref<1x1024xi32, #tpu.memory_space<vmem>>
      %dma_start3A_553 = tpu.memref_squeeze %dma_start3A_552 : memref<1x1024xi32, #tpu.memory_space<vmem>> -> memref<1024xi32, #tpu.memory_space<vmem>>
      %dma_start3A_554 = tpu.memref_slice %arg2[%add3A_4] : memref<327680xi32, #tpu.memory_space<hbm>> -> memref<1024xi32, #tpu.memory_space<hbm>>
      %dma_start3A_555 = arith.constant 0 : i32
      %dma_start3A_556 = tpu.memref_slice %arg5[%run_scoped3A, %dma_start3A_555] : memref<3x1024xi32, #tpu.memory_space<vmem>> -> memref<1x1024xi32, #tpu.memory_space<vmem>>
      %dma_start3A_557 = tpu.memref_squeeze %dma_start3A_556 : memref<1x1024xi32, #tpu.memory_space<vmem>> -> memref<1024xi32, #tpu.memory_space<vmem>>
      %dma_start3A_558 = tpu.memref_slice %arg2[%add3A_4] : memref<327680xi32, #tpu.memory_space<hbm>> -> memref<1024xi32, #tpu.memory_space<hbm>>
      tpu.enqueue_dma source(%dma_start3A_558 : memref<1024xi32, #tpu.memory_space<hbm>>) target(%dma_start3A_557 : memref<1024xi32, #tpu.memory_space<vmem>>) target_semaphore(%run_scoped3A_550 : memref<!tpu.dma_semaphore, #tpu.memory_space<semaphore_mem>>)
      %dma_wait3A_559 = arith.constant 0 : i32
      %dma_wait3A_560 = tpu.memref_slice %arg5[%run_scoped3A, %dma_wait3A_559] : memref<3x1024xi32, #tpu.memory_space<vmem>> -> memref<1x1024xi32, #tpu.memory_space<vmem>>
      %dma_wait3A_561 = tpu.memref_squeeze %dma_wait3A_560 : memref<1x1024xi32, #tpu.memory_space<vmem>> -> memref<1024xi32, #tpu.memory_space<vmem>>
      %dma_wait3A_562 = tpu.memref_slice %arg2[%add3A_4] : memref<327680xi32, #tpu.memory_space<hbm>> -> memref<1024xi32, #tpu.memory_space<hbm>>
      %dma_wait3A_563 = arith.constant 0 : i32
      %dma_wait3A_564 = tpu.memref_slice %arg5[%run_scoped3A, %dma_wait3A_563] : memref<3x1024xi32, #tpu.memory_space<vmem>> -> memref<1x1024xi32, #tpu.memory_space<vmem>>
      %dma_wait3A_565 = tpu.memref_squeeze %dma_wait3A_564 : memref<1x1024xi32, #tpu.memory_space<vmem>> -> memref<1024xi32, #tpu.memory_space<vmem>>
      %dma_wait3A_566 = tpu.memref_slice %arg2[%add3A_4] : memref<327680xi32, #tpu.memory_space<hbm>> -> memref<1024xi32, #tpu.memory_space<hbm>>
      tpu.wait_dma2 semaphore(%run_scoped3A_550 : memref<!tpu.dma_semaphore, #tpu.memory_space<semaphore_mem>>) src(%dma_wait3A_566 : memref<1024xi32, #tpu.memory_space<hbm>>) dst(%dma_wait3A_565 : memref<1024xi32, #tpu.memory_space<vmem>>)
      tpu.yield
    }) : () -> ()
    %dma_start3A = arith.constant 0 : i32
    %dma_start3A_5 = arith.constant 0 : i32
    %dma_start3A_6 = arith.constant 0 : i32
    %dma_start3A_7 = arith.constant 0 : i32
    %dma_start3A_8 = tpu.memref_slice %arg6[%dma_start3A_5, %dma_start3A_6, %dma_start3A_7] : memref<3x1024x32xf32, #tpu.memory_space<vmem>> -> memref<1x1024x32xf32, #tpu.memory_space<vmem>>
    %dma_start3A_9 = tpu.memref_squeeze %dma_start3A_8 : memref<1x1024x32xf32, #tpu.memory_space<vmem>> -> memref<1024x32xf32, #tpu.memory_space<vmem>>
    %dma_start3A_10 = arith.constant 0 : i32
    %dma_start3A_11 = tpu.memref_slice %arg5[%dma_start3A, %dma_start3A_10] : memref<3x1024xi32, #tpu.memory_space<vmem>> -> memref<1x1024xi32, #tpu.memory_space<vmem>>
    %dma_start3A_12 = tpu.memref_squeeze %dma_start3A_11 : memref<1x1024xi32, #tpu.memory_space<vmem>> -> memref<1024xi32, #tpu.memory_space<vmem>>
    %dma_start3A_13 = arith.constant 0 : i32
    %dma_start3A_14 = arith.constant 0 : i32
    %dma_start3A_15 = tpu.memref_slice %arg3[%dma_start3A_13, %dma_start3A_14] : memref<1015808x32xf32, #tpu.memory_space<hbm>> -> memref<1015808x32xf32, #tpu.memory_space<hbm>>
    tpu.enqueue_indirect_dma source(%dma_start3A_15 : memref<1015808x32xf32, #tpu.memory_space<hbm>>) target(%dma_start3A_9 : memref<1024x32xf32, #tpu.memory_space<vmem>>) offsets(%dma_start3A_12 : memref<1024xi32, #tpu.memory_space<vmem>>) semaphore(%arg7 : memref<!tpu.dma_semaphore, #tpu.memory_space<semaphore_mem>>)
    %add3A_16 = arith.constant 1024 : i32
    %add3A_17 = arith.addi %mul3A_2, %add3A_16 : i32
    %run_scoped3A_18 = arith.constant 1 : i32
    "tpu.region"() ({
      %run_scoped3A_550 = tpu.sem_alloc : memref<!tpu.dma_semaphore, #tpu.memory_space<semaphore_mem>>
      %dma_start3A_551 = arith.constant 0 : i32
      %dma_start3A_552 = tpu.memref_slice %arg5[%run_scoped3A_18, %dma_start3A_551] : memref<3x1024xi32, #tpu.memory_space<vmem>> -> memref<1x1024xi32, #tpu.memory_space<vmem>>
      %dma_start3A_553 = tpu.memref_squeeze %dma_start3A_552 : memref<1x1024xi32, #tpu.memory_space<vmem>> -> memref<1024xi32, #tpu.memory_space<vmem>>
      %dma_start3A_554 = tpu.memref_slice %arg2[%add3A_17] : memref<327680xi32, #tpu.memory_space<hbm>> -> memref<1024xi32, #tpu.memory_space<hbm>>
      %dma_start3A_555 = arith.constant 0 : i32
      %dma_start3A_556 = tpu.memref_slice %arg5[%run_scoped3A_18, %dma_start3A_555] : memref<3x1024xi32, #tpu.memory_space<vmem>> -> memref<1x1024xi32, #tpu.memory_space<vmem>>
      %dma_start3A_557 = tpu.memref_squeeze %dma_start3A_556 : memref<1x1024xi32, #tpu.memory_space<vmem>> -> memref<1024xi32, #tpu.memory_space<vmem>>
      %dma_start3A_558 = tpu.memref_slice %arg2[%add3A_17] : memref<327680xi32, #tpu.memory_space<hbm>> -> memref<1024xi32, #tpu.memory_space<hbm>>
      tpu.enqueue_dma source(%dma_start3A_558 : memref<1024xi32, #tpu.memory_space<hbm>>) target(%dma_start3A_557 : memref<1024xi32, #tpu.memory_space<vmem>>) target_semaphore(%run_scoped3A_550 : memref<!tpu.dma_semaphore, #tpu.memory_space<semaphore_mem>>)
      %dma_wait3A_559 = arith.constant 0 : i32
      %dma_wait3A_560 = tpu.memref_slice %arg5[%run_scoped3A_18, %dma_wait3A_559] : memref<3x1024xi32, #tpu.memory_space<vmem>> -> memref<1x1024xi32, #tpu.memory_space<vmem>>
      %dma_wait3A_561 = tpu.memref_squeeze %dma_wait3A_560 : memref<1x1024xi32, #tpu.memory_space<vmem>> -> memref<1024xi32, #tpu.memory_space<vmem>>
      %dma_wait3A_562 = tpu.memref_slice %arg2[%add3A_17] : memref<327680xi32, #tpu.memory_space<hbm>> -> memref<1024xi32, #tpu.memory_space<hbm>>
      %dma_wait3A_563 = arith.constant 0 : i32
      %dma_wait3A_564 = tpu.memref_slice %arg5[%run_scoped3A_18, %dma_wait3A_563] : memref<3x1024xi32, #tpu.memory_space<vmem>> -> memref<1x1024xi32, #tpu.memory_space<vmem>>
      %dma_wait3A_565 = tpu.memref_squeeze %dma_wait3A_564 : memref<1x1024xi32, #tpu.memory_space<vmem>> -> memref<1024xi32, #tpu.memory_space<vmem>>
      %dma_wait3A_566 = tpu.memref_slice %arg2[%add3A_17] : memref<327680xi32, #tpu.memory_space<hbm>> -> memref<1024xi32, #tpu.memory_space<hbm>>
      tpu.wait_dma2 semaphore(%run_scoped3A_550 : memref<!tpu.dma_semaphore, #tpu.memory_space<semaphore_mem>>) src(%dma_wait3A_566 : memref<1024xi32, #tpu.memory_space<hbm>>) dst(%dma_wait3A_565 : memref<1024xi32, #tpu.memory_space<vmem>>)
      tpu.yield
    }) : () -> ()
    %dma_start3A_19 = arith.constant 1 : i32
    %dma_start3A_20 = arith.constant 1 : i32
    %dma_start3A_21 = arith.constant 0 : i32
    %dma_start3A_22 = arith.constant 0 : i32
    %dma_start3A_23 = tpu.memref_slice %arg6[%dma_start3A_20, %dma_start3A_21, %dma_start3A_22] : memref<3x1024x32xf32, #tpu.memory_space<vmem>> -> memref<1x1024x32xf32, #tpu.memory_space<vmem>>
    %dma_start3A_24 = tpu.memref_squeeze %dma_start3A_23 : memref<1x1024x32xf32, #tpu.memory_space<vmem>> -> memref<1024x32xf32, #tpu.memory_space<vmem>>
    %dma_start3A_25 = arith.constant 0 : i32
    %dma_start3A_26 = tpu.memref_slice %arg5[%dma_start3A_19, %dma_start3A_25] : memref<3x1024xi32, #tpu.memory_space<vmem>> -> memref<1x1024xi32, #tpu.memory_space<vmem>>
    %dma_start3A_27 = tpu.memref_squeeze %dma_start3A_26 : memref<1x1024xi32, #tpu.memory_space<vmem>> -> memref<1024xi32, #tpu.memory_space<vmem>>
    %dma_start3A_28 = arith.constant 0 : i32
    %dma_start3A_29 = arith.constant 0 : i32
    %dma_start3A_30 = tpu.memref_slice %arg3[%dma_start3A_28, %dma_start3A_29] : memref<1015808x32xf32, #tpu.memory_space<hbm>> -> memref<1015808x32xf32, #tpu.memory_space<hbm>>
    tpu.enqueue_indirect_dma source(%dma_start3A_30 : memref<1015808x32xf32, #tpu.memory_space<hbm>>) target(%dma_start3A_24 : memref<1024x32xf32, #tpu.memory_space<vmem>>) offsets(%dma_start3A_27 : memref<1024xi32, #tpu.memory_space<vmem>>) semaphore(%arg8 : memref<!tpu.dma_semaphore, #tpu.memory_space<semaphore_mem>>)
    %dma_wait3A = arith.constant 0 : i32
    %dma_wait3A_31 = arith.constant 0 : i32
    %dma_wait3A_32 = arith.constant 0 : i32
    %dma_wait3A_33 = arith.constant 0 : i32
    %dma_wait3A_34 = tpu.memref_slice %arg6[%dma_wait3A_31, %dma_wait3A_32, %dma_wait3A_33] : memref<3x1024x32xf32, #tpu.memory_space<vmem>> -> memref<1x1024x32xf32, #tpu.memory_space<vmem>>
    %dma_wait3A_35 = tpu.memref_squeeze %dma_wait3A_34 : memref<1x1024x32xf32, #tpu.memory_space<vmem>> -> memref<1024x32xf32, #tpu.memory_space<vmem>>
    %dma_wait3A_36 = arith.constant 0 : i32
    %dma_wait3A_37 = tpu.memref_slice %arg5[%dma_wait3A, %dma_wait3A_36] : memref<3x1024xi32, #tpu.memory_space<vmem>> -> memref<1x1024xi32, #tpu.memory_space<vmem>>
    %dma_wait3A_38 = tpu.memref_squeeze %dma_wait3A_37 : memref<1x1024xi32, #tpu.memory_space<vmem>> -> memref<1024xi32, #tpu.memory_space<vmem>>
    %dma_wait3A_39 = arith.constant 0 : i32
    %dma_wait3A_40 = arith.constant 0 : i32
    %dma_wait3A_41 = tpu.memref_slice %arg3[%dma_wait3A_39, %dma_wait3A_40] : memref<1015808x32xf32, #tpu.memory_space<hbm>> -> memref<1015808x32xf32, #tpu.memory_space<hbm>>
    tpu.wait_indirect_dma semaphore(%arg7 : memref<!tpu.dma_semaphore, #tpu.memory_space<semaphore_mem>>) src(%dma_wait3A_41 : memref<1015808x32xf32, #tpu.memory_space<hbm>>) dst(%dma_wait3A_35 : memref<1024x32xf32, #tpu.memory_space<vmem>>)
    %add3A_42 = arith.constant 0 : i32
    %add3A_43 = arith.addi %mul3A_2, %add3A_42 : i32
    %dma_start3A_44 = arith.constant 0 : i32
    %dma_start3A_45 = arith.constant 0 : i32
    %dma_start3A_46 = arith.constant 0 : i32
    %dma_start3A_47 = tpu.memref_slice %arg6[%dma_start3A_44, %dma_start3A_45, %dma_start3A_46] : memref<3x1024x32xf32, #tpu.memory_space<vmem>> -> memref<1x1024x32xf32, #tpu.memory_space<vmem>>
    %dma_start3A_48 = tpu.memref_squeeze %dma_start3A_47 : memref<1x1024x32xf32, #tpu.memory_space<vmem>> -> memref<1024x32xf32, #tpu.memory_space<vmem>>
    %dma_start3A_49 = arith.constant 0 : i32
    %dma_start3A_50 = tpu.memref_slice %arg4[%add3A_43, %dma_start3A_49] : memref<327680x32xf32, #tpu.memory_space<hbm>> -> memref<1024x32xf32, #tpu.memory_space<hbm>>
    %dma_start3A_51 = arith.constant 0 : i32
    %dma_start3A_52 = tpu.memref_slice %arg4[%add3A_43, %dma_start3A_51] : memref<327680x32xf32, #tpu.memory_space<hbm>> -> memref<1024x32xf32, #tpu.memory_space<hbm>>
    %dma_start3A_53 = arith.constant 0 : i32
    %dma_start3A_54 = arith.constant 0 : i32
    %dma_start3A_55 = tpu.memref_slice %arg6[%dma_start3A_44, %dma_start3A_53, %dma_start3A_54] : memref<3x1024x32xf32, #tpu.memory_space<vmem>> -> memref<1x1024x32xf32, #tpu.memory_space<vmem>>
    %dma_start3A_56 = tpu.memref_squeeze %dma_start3A_55 : memref<1x1024x32xf32, #tpu.memory_space<vmem>> -> memref<1024x32xf32, #tpu.memory_space<vmem>>
    tpu.enqueue_dma source(%dma_start3A_56 : memref<1024x32xf32, #tpu.memory_space<vmem>>) target(%dma_start3A_52 : memref<1024x32xf32, #tpu.memory_space<hbm>>) target_semaphore(%arg10 : memref<!tpu.dma_semaphore, #tpu.memory_space<semaphore_mem>>)
    %add3A_57 = arith.constant 2048 : i32
    %add3A_58 = arith.addi %mul3A_2, %add3A_57 : i32
    %run_scoped3A_59 = arith.constant 2 : i32
    "tpu.region"() ({
      %run_scoped3A_550 = tpu.sem_alloc : memref<!tpu.dma_semaphore, #tpu.memory_space<semaphore_mem>>
      %dma_start3A_551 = arith.constant 0 : i32
      %dma_start3A_552 = tpu.memref_slice %arg5[%run_scoped3A_59, %dma_start3A_551] : memref<3x1024xi32, #tpu.memory_space<vmem>> -> memref<1x1024xi32, #tpu.memory_space<vmem>>
      %dma_start3A_553 = tpu.memref_squeeze %dma_start3A_552 : memref<1x1024xi32, #tpu.memory_space<vmem>> -> memref<1024xi32, #tpu.memory_space<vmem>>
      %dma_start3A_554 = tpu.memref_slice %arg2[%add3A_58] : memref<327680xi32, #tpu.memory_space<hbm>> -> memref<1024xi32, #tpu.memory_space<hbm>>
      %dma_start3A_555 = arith.constant 0 : i32
      %dma_start3A_556 = tpu.memref_slice %arg5[%run_scoped3A_59, %dma_start3A_555] : memref<3x1024xi32, #tpu.memory_space<vmem>> -> memref<1x1024xi32, #tpu.memory_space<vmem>>
      %dma_start3A_557 = tpu.memref_squeeze %dma_start3A_556 : memref<1x1024xi32, #tpu.memory_space<vmem>> -> memref<1024xi32, #tpu.memory_space<vmem>>
      %dma_start3A_558 = tpu.memref_slice %arg2[%add3A_58] : memref<327680xi32, #tpu.memory_space<hbm>> -> memref<1024xi32, #tpu.memory_space<hbm>>
      tpu.enqueue_dma source(%dma_start3A_558 : memref<1024xi32, #tpu.memory_space<hbm>>) target(%dma_start3A_557 : memref<1024xi32, #tpu.memory_space<vmem>>) target_semaphore(%run_scoped3A_550 : memref<!tpu.dma_semaphore, #tpu.memory_space<semaphore_mem>>)
      %dma_wait3A_559 = arith.constant 0 : i32
      %dma_wait3A_560 = tpu.memref_slice %arg5[%run_scoped3A_59, %dma_wait3A_559] : memref<3x1024xi32, #tpu.memory_space<vmem>> -> memref<1x1024xi32, #tpu.memory_space<vmem>>
      %dma_wait3A_561 = tpu.memref_squeeze %dma_wait3A_560 : memref<1x1024xi32, #tpu.memory_space<vmem>> -> memref<1024xi32, #tpu.memory_space<vmem>>
      %dma_wait3A_562 = tpu.memref_slice %arg2[%add3A_58] : memref<327680xi32, #tpu.memory_space<hbm>> -> memref<1024xi32, #tpu.memory_space<hbm>>
      %dma_wait3A_563 = arith.constant 0 : i32
      %dma_wait3A_564 = tpu.memref_slice %arg5[%run_scoped3A_59, %dma_wait3A_563] : memref<3x1024xi32, #tpu.memory_space<vmem>> -> memref<1x1024xi32, #tpu.memory_space<vmem>>
      %dma_wait3A_565 = tpu.memref_squeeze %dma_wait3A_564 : memref<1x1024xi32, #tpu.memory_space<vmem>> -> memref<1024xi32, #tpu.memory_space<vmem>>
      %dma_wait3A_566 = tpu.memref_slice %arg2[%add3A_58] : memref<327680xi32, #tpu.memory_space<hbm>> -> memref<1024xi32, #tpu.memory_space<hbm>>
      tpu.wait_dma2 semaphore(%run_scoped3A_550 : memref<!tpu.dma_semaphore, #tpu.memory_space<semaphore_mem>>) src(%dma_wait3A_566 : memref<1024xi32, #tpu.memory_space<hbm>>) dst(%dma_wait3A_565 : memref<1024xi32, #tpu.memory_space<vmem>>)
      tpu.yield
    }) : () -> ()
    %dma_start3A_60 = arith.constant 2 : i32
    %dma_start3A_61 = arith.constant 2 : i32
    %dma_start3A_62 = arith.constant 0 : i32
    %dma_start3A_63 = arith.constant 0 : i32
    %dma_start3A_64 = tpu.memref_slice %arg6[%dma_start3A_61, %dma_start3A_62, %dma_start3A_63] : memref<3x1024x32xf32, #tpu.memory_space<vmem>> -> memref<1x1024x32xf32, #tpu.memory_space<vmem>>
    %dma_start3A_65 = tpu.memref_squeeze %dma_start3A_64 : memref<1x1024x32xf32, #tpu.memory_space<vmem>> -> memref<1024x32xf32, #tpu.memory_space<vmem>>
    %dma_start3A_66 = arith.constant 0 : i32
    %dma_start3A_67 = tpu.memref_slice %arg5[%dma_start3A_60, %dma_start3A_66] : memref<3x1024xi32, #tpu.memory_space<vmem>> -> memref<1x1024xi32, #tpu.memory_space<vmem>>
    %dma_start3A_68 = tpu.memref_squeeze %dma_start3A_67 : memref<1x1024xi32, #tpu.memory_space<vmem>> -> memref<1024xi32, #tpu.memory_space<vmem>>
    %dma_start3A_69 = arith.constant 0 : i32
    %dma_start3A_70 = arith.constant 0 : i32
    %dma_start3A_71 = tpu.memref_slice %arg3[%dma_start3A_69, %dma_start3A_70] : memref<1015808x32xf32, #tpu.memory_space<hbm>> -> memref<1015808x32xf32, #tpu.memory_space<hbm>>
    tpu.enqueue_indirect_dma source(%dma_start3A_71 : memref<1015808x32xf32, #tpu.memory_space<hbm>>) target(%dma_start3A_65 : memref<1024x32xf32, #tpu.memory_space<vmem>>) offsets(%dma_start3A_68 : memref<1024xi32, #tpu.memory_space<vmem>>) semaphore(%arg9 : memref<!tpu.dma_semaphore, #tpu.memory_space<semaphore_mem>>)
    %dma_wait3A_72 = arith.constant 1 : i32
    %dma_wait3A_73 = arith.constant 1 : i32
    %dma_wait3A_74 = arith.constant 0 : i32
    %dma_wait3A_75 = arith.constant 0 : i32
    %dma_wait3A_76 = tpu.memref_slice %arg6[%dma_wait3A_73, %dma_wait3A_74, %dma_wait3A_75] : memref<3x1024x32xf32, #tpu.memory_space<vmem>> -> memref<1x1024x32xf32, #tpu.memory_space<vmem>>
    %dma_wait3A_77 = tpu.memref_squeeze %dma_wait3A_76 : memref<1x1024x32xf32, #tpu.memory_space<vmem>> -> memref<1024x32xf32, #tpu.memory_space<vmem>>
    %dma_wait3A_78 = arith.constant 0 : i32
    %dma_wait3A_79 = tpu.memref_slice %arg5[%dma_wait3A_72, %dma_wait3A_78] : memref<3x1024xi32, #tpu.memory_space<vmem>> -> memref<1x1024xi32, #tpu.memory_space<vmem>>
    %dma_wait3A_80 = tpu.memref_squeeze %dma_wait3A_79 : memref<1x1024xi32, #tpu.memory_space<vmem>> -> memref<1024xi32, #tpu.memory_space<vmem>>
    %dma_wait3A_81 = arith.constant 0 : i32
    %dma_wait3A_82 = arith.constant 0 : i32
    %dma_wait3A_83 = tpu.memref_slice %arg3[%dma_wait3A_81, %dma_wait3A_82] : memref<1015808x32xf32, #tpu.memory_space<hbm>> -> memref<1015808x32xf32, #tpu.memory_space<hbm>>
    tpu.wait_indirect_dma semaphore(%arg8 : memref<!tpu.dma_semaphore, #tpu.memory_space<semaphore_mem>>) src(%dma_wait3A_83 : memref<1015808x32xf32, #tpu.memory_space<hbm>>) dst(%dma_wait3A_77 : memref<1024x32xf32, #tpu.memory_space<vmem>>)
    %add3A_84 = arith.constant 1024 : i32
    %add3A_85 = arith.addi %mul3A_2, %add3A_84 : i32
    %dma_start3A_86 = arith.constant 1 : i32
    %dma_start3A_87 = arith.constant 0 : i32
    %dma_start3A_88 = arith.constant 0 : i32
    %dma_start3A_89 = tpu.memref_slice %arg6[%dma_start3A_86, %dma_start3A_87, %dma_start3A_88] : memref<3x1024x32xf32, #tpu.memory_space<vmem>> -> memref<1x1024x32xf32, #tpu.memory_space<vmem>>
    %dma_start3A_90 = tpu.memref_squeeze %dma_start3A_89 : memref<1x1024x32xf32, #tpu.memory_space<vmem>> -> memref<1024x32xf32, #tpu.memory_space<vmem>>
    %dma_start3A_91 = arith.constant 0 : i32
    %dma_start3A_92 = tpu.memref_slice %arg4[%add3A_85, %dma_start3A_91] : memref<327680x32xf32, #tpu.memory_space<hbm>> -> memref<1024x32xf32, #tpu.memory_space<hbm>>
    %dma_start3A_93 = arith.constant 0 : i32
    %dma_start3A_94 = tpu.memref_slice %arg4[%add3A_85, %dma_start3A_93] : memref<327680x32xf32, #tpu.memory_space<hbm>> -> memref<1024x32xf32, #tpu.memory_space<hbm>>
    %dma_start3A_95 = arith.constant 0 : i32
    %dma_start3A_96 = arith.constant 0 : i32
    %dma_start3A_97 = tpu.memref_slice %arg6[%dma_start3A_86, %dma_start3A_95, %dma_start3A_96] : memref<3x1024x32xf32, #tpu.memory_space<vmem>> -> memref<1x1024x32xf32, #tpu.memory_space<vmem>>
    %dma_start3A_98 = tpu.memref_squeeze %dma_start3A_97 : memref<1x1024x32xf32, #tpu.memory_space<vmem>> -> memref<1024x32xf32, #tpu.memory_space<vmem>>
    tpu.enqueue_dma source(%dma_start3A_98 : memref<1024x32xf32, #tpu.memory_space<vmem>>) target(%dma_start3A_94 : memref<1024x32xf32, #tpu.memory_space<hbm>>) target_semaphore(%arg11 : memref<!tpu.dma_semaphore, #tpu.memory_space<semaphore_mem>>)
    %dma_wait3A_99 = arith.constant 0 : i32
    %dma_wait3A_100 = arith.constant 0 : i32
    %dma_wait3A_101 = arith.constant 0 : i32
    %dma_wait3A_102 = tpu.memref_slice %arg6[%dma_wait3A_99, %dma_wait3A_100, %dma_wait3A_101] : memref<3x1024x32xf32, #tpu.memory_space<vmem>> -> memref<1x1024x32xf32, #tpu.memory_space<vmem>>
    %dma_wait3A_103 = tpu.memref_squeeze %dma_wait3A_102 : memref<1x1024x32xf32, #tpu.memory_space<vmem>> -> memref<1024x32xf32, #tpu.memory_space<vmem>>
    %dma_wait3A_104 = arith.constant 0 : i32
    %dma_wait3A_105 = tpu.memref_slice %arg4[%add3A_43, %dma_wait3A_104] : memref<327680x32xf32, #tpu.memory_space<hbm>> -> memref<1024x32xf32, #tpu.memory_space<hbm>>
    %dma_wait3A_106 = arith.constant 0 : i32
    %dma_wait3A_107 = tpu.memref_slice %arg4[%add3A_43, %dma_wait3A_106] : memref<327680x32xf32, #tpu.memory_space<hbm>> -> memref<1024x32xf32, #tpu.memory_space<hbm>>
    %dma_wait3A_108 = arith.constant 0 : i32
    %dma_wait3A_109 = arith.constant 0 : i32
    %dma_wait3A_110 = tpu.memref_slice %arg6[%dma_wait3A_99, %dma_wait3A_108, %dma_wait3A_109] : memref<3x1024x32xf32, #tpu.memory_space<vmem>> -> memref<1x1024x32xf32, #tpu.memory_space<vmem>>
    %dma_wait3A_111 = tpu.memref_squeeze %dma_wait3A_110 : memref<1x1024x32xf32, #tpu.memory_space<vmem>> -> memref<1024x32xf32, #tpu.memory_space<vmem>>
    tpu.wait_dma2 semaphore(%arg10 : memref<!tpu.dma_semaphore, #tpu.memory_space<semaphore_mem>>) src(%dma_wait3A_111 : memref<1024x32xf32, #tpu.memory_space<vmem>>) dst(%dma_wait3A_107 : memref<1024x32xf32, #tpu.memory_space<hbm>>)
    %add3A_112 = arith.constant 3072 : i32
    %add3A_113 = arith.addi %mul3A_2, %add3A_112 : i32
    %run_scoped3A_114 = arith.constant 0 : i32
    "tpu.region"() ({
      %run_scoped3A_550 = tpu.sem_alloc : memref<!tpu.dma_semaphore, #tpu.memory_space<semaphore_mem>>
      %dma_start3A_551 = arith.constant 0 : i32
      %dma_start3A_552 = tpu.memref_slice %arg5[%run_scoped3A_114, %dma_start3A_551] : memref<3x1024xi32, #tpu.memory_space<vmem>> -> memref<1x1024xi32, #tpu.memory_space<vmem>>
      %dma_start3A_553 = tpu.memref_squeeze %dma_start3A_552 : memref<1x1024xi32, #tpu.memory_space<vmem>> -> memref<1024xi32, #tpu.memory_space<vmem>>
      %dma_start3A_554 = tpu.memref_slice %arg2[%add3A_113] : memref<327680xi32, #tpu.memory_space<hbm>> -> memref<1024xi32, #tpu.memory_space<hbm>>
      %dma_start3A_555 = arith.constant 0 : i32
      %dma_start3A_556 = tpu.memref_slice %arg5[%run_scoped3A_114, %dma_start3A_555] : memref<3x1024xi32, #tpu.memory_space<vmem>> -> memref<1x1024xi32, #tpu.memory_space<vmem>>
      %dma_start3A_557 = tpu.memref_squeeze %dma_start3A_556 : memref<1x1024xi32, #tpu.memory_space<vmem>> -> memref<1024xi32, #tpu.memory_space<vmem>>
      %dma_start3A_558 = tpu.memref_slice %arg2[%add3A_113] : memref<327680xi32, #tpu.memory_space<hbm>> -> memref<1024xi32, #tpu.memory_space<hbm>>
      tpu.enqueue_dma source(%dma_start3A_558 : memref<1024xi32, #tpu.memory_space<hbm>>) target(%dma_start3A_557 : memref<1024xi32, #tpu.memory_space<vmem>>) target_semaphore(%run_scoped3A_550 : memref<!tpu.dma_semaphore, #tpu.memory_space<semaphore_mem>>)
      %dma_wait3A_559 = arith.constant 0 : i32
      %dma_wait3A_560 = tpu.memref_slice %arg5[%run_scoped3A_114, %dma_wait3A_559] : memref<3x1024xi32, #tpu.memory_space<vmem>> -> memref<1x1024xi32, #tpu.memory_space<vmem>>
      %dma_wait3A_561 = tpu.memref_squeeze %dma_wait3A_560 : memref<1x1024xi32, #tpu.memory_space<vmem>> -> memref<1024xi32, #tpu.memory_space<vmem>>
      %dma_wait3A_562 = tpu.memref_slice %arg2[%add3A_113] : memref<327680xi32, #tpu.memory_space<hbm>> -> memref<1024xi32, #tpu.memory_space<hbm>>
      %dma_wait3A_563 = arith.constant 0 : i32
      %dma_wait3A_564 = tpu.memref_slice %arg5[%run_scoped3A_114, %dma_wait3A_563] : memref<3x1024xi32, #tpu.memory_space<vmem>> -> memref<1x1024xi32, #tpu.memory_space<vmem>>
      %dma_wait3A_565 = tpu.memref_squeeze %dma_wait3A_564 : memref<1x1024xi32, #tpu.memory_space<vmem>> -> memref<1024xi32, #tpu.memory_space<vmem>>
      %dma_wait3A_566 = tpu.memref_slice %arg2[%add3A_113] : memref<327680xi32, #tpu.memory_space<hbm>> -> memref<1024xi32, #tpu.memory_space<hbm>>
      tpu.wait_dma2 semaphore(%run_scoped3A_550 : memref<!tpu.dma_semaphore, #tpu.memory_space<semaphore_mem>>) src(%dma_wait3A_566 : memref<1024xi32, #tpu.memory_space<hbm>>) dst(%dma_wait3A_565 : memref<1024xi32, #tpu.memory_space<vmem>>)
      tpu.yield
    }) : () -> ()
    %dma_start3A_115 = arith.constant 0 : i32
    %dma_start3A_116 = arith.constant 0 : i32
    %dma_start3A_117 = arith.constant 0 : i32
    %dma_start3A_118 = arith.constant 0 : i32
    %dma_start3A_119 = tpu.memref_slice %arg6[%dma_start3A_116, %dma_start3A_117, %dma_start3A_118] : memref<3x1024x32xf32, #tpu.memory_space<vmem>> -> memref<1x1024x32xf32, #tpu.memory_space<vmem>>
    %dma_start3A_120 = tpu.memref_squeeze %dma_start3A_119 : memref<1x1024x32xf32, #tpu.memory_space<vmem>> -> memref<1024x32xf32, #tpu.memory_space<vmem>>
    %dma_start3A_121 = arith.constant 0 : i32
    %dma_start3A_122 = tpu.memref_slice %arg5[%dma_start3A_115, %dma_start3A_121] : memref<3x1024xi32, #tpu.memory_space<vmem>> -> memref<1x1024xi32, #tpu.memory_space<vmem>>
    %dma_start3A_123 = tpu.memref_squeeze %dma_start3A_122 : memref<1x1024xi32, #tpu.memory_space<vmem>> -> memref<1024xi32, #tpu.memory_space<vmem>>
    %dma_start3A_124 = arith.constant 0 : i32
    %dma_start3A_125 = arith.constant 0 : i32
    %dma_start3A_126 = tpu.memref_slice %arg3[%dma_start3A_124, %dma_start3A_125] : memref<1015808x32xf32, #tpu.memory_space<hbm>> -> memref<1015808x32xf32, #tpu.memory_space<hbm>>
    tpu.enqueue_indirect_dma source(%dma_start3A_126 : memref<1015808x32xf32, #tpu.memory_space<hbm>>) target(%dma_start3A_120 : memref<1024x32xf32, #tpu.memory_space<vmem>>) offsets(%dma_start3A_123 : memref<1024xi32, #tpu.memory_space<vmem>>) semaphore(%arg7 : memref<!tpu.dma_semaphore, #tpu.memory_space<semaphore_mem>>)
    %dma_wait3A_127 = arith.constant 2 : i32
    %dma_wait3A_128 = arith.constant 2 : i32
    %dma_wait3A_129 = arith.constant 0 : i32
    %dma_wait3A_130 = arith.constant 0 : i32
    %dma_wait3A_131 = tpu.memref_slice %arg6[%dma_wait3A_128, %dma_wait3A_129, %dma_wait3A_130] : memref<3x1024x32xf32, #tpu.memory_space<vmem>> -> memref<1x1024x32xf32, #tpu.memory_space<vmem>>
    %dma_wait3A_132 = tpu.memref_squeeze %dma_wait3A_131 : memref<1x1024x32xf32, #tpu.memory_space<vmem>> -> memref<1024x32xf32, #tpu.memory_space<vmem>>
    %dma_wait3A_133 = arith.constant 0 : i32
    %dma_wait3A_134 = tpu.memref_slice %arg5[%dma_wait3A_127, %dma_wait3A_133] : memref<3x1024xi32, #tpu.memory_space<vmem>> -> memref<1x1024xi32, #tpu.memory_space<vmem>>
    %dma_wait3A_135 = tpu.memref_squeeze %dma_wait3A_134 : memref<1x1024xi32, #tpu.memory_space<vmem>> -> memref<1024xi32, #tpu.memory_space<vmem>>
    %dma_wait3A_136 = arith.constant 0 : i32
    %dma_wait3A_137 = arith.constant 0 : i32
    %dma_wait3A_138 = tpu.memref_slice %arg3[%dma_wait3A_136, %dma_wait3A_137] : memref<1015808x32xf32, #tpu.memory_space<hbm>> -> memref<1015808x32xf32, #tpu.memory_space<hbm>>
    tpu.wait_indirect_dma semaphore(%arg9 : memref<!tpu.dma_semaphore, #tpu.memory_space<semaphore_mem>>) src(%dma_wait3A_138 : memref<1015808x32xf32, #tpu.memory_space<hbm>>) dst(%dma_wait3A_132 : memref<1024x32xf32, #tpu.memory_space<vmem>>)
    %add3A_139 = arith.constant 2048 : i32
    %add3A_140 = arith.addi %mul3A_2, %add3A_139 : i32
    %dma_start3A_141 = arith.constant 2 : i32
    %dma_start3A_142 = arith.constant 0 : i32
    %dma_start3A_143 = arith.constant 0 : i32
    %dma_start3A_144 = tpu.memref_slice %arg6[%dma_start3A_141, %dma_start3A_142, %dma_start3A_143] : memref<3x1024x32xf32, #tpu.memory_space<vmem>> -> memref<1x1024x32xf32, #tpu.memory_space<vmem>>
    %dma_start3A_145 = tpu.memref_squeeze %dma_start3A_144 : memref<1x1024x32xf32, #tpu.memory_space<vmem>> -> memref<1024x32xf32, #tpu.memory_space<vmem>>
    %dma_start3A_146 = arith.constant 0 : i32
    %dma_start3A_147 = tpu.memref_slice %arg4[%add3A_140, %dma_start3A_146] : memref<327680x32xf32, #tpu.memory_space<hbm>> -> memref<1024x32xf32, #tpu.memory_space<hbm>>
    %dma_start3A_148 = arith.constant 0 : i32
    %dma_start3A_149 = tpu.memref_slice %arg4[%add3A_140, %dma_start3A_148] : memref<327680x32xf32, #tpu.memory_space<hbm>> -> memref<1024x32xf32, #tpu.memory_space<hbm>>
    %dma_start3A_150 = arith.constant 0 : i32
    %dma_start3A_151 = arith.constant 0 : i32
    %dma_start3A_152 = tpu.memref_slice %arg6[%dma_start3A_141, %dma_start3A_150, %dma_start3A_151] : memref<3x1024x32xf32, #tpu.memory_space<vmem>> -> memref<1x1024x32xf32, #tpu.memory_space<vmem>>
    %dma_start3A_153 = tpu.memref_squeeze %dma_start3A_152 : memref<1x1024x32xf32, #tpu.memory_space<vmem>> -> memref<1024x32xf32, #tpu.memory_space<vmem>>
    tpu.enqueue_dma source(%dma_start3A_153 : memref<1024x32xf32, #tpu.memory_space<vmem>>) target(%dma_start3A_149 : memref<1024x32xf32, #tpu.memory_space<hbm>>) target_semaphore(%arg12 : memref<!tpu.dma_semaphore, #tpu.memory_space<semaphore_mem>>)
    %dma_wait3A_154 = arith.constant 1 : i32
    %dma_wait3A_155 = arith.constant 0 : i32
    %dma_wait3A_156 = arith.constant 0 : i32
    %dma_wait3A_157 = tpu.memref_slice %arg6[%dma_wait3A_154, %dma_wait3A_155, %dma_wait3A_156] : memref<3x1024x32xf32, #tpu.memory_space<vmem>> -> memref<1x1024x32xf32, #tpu.memory_space<vmem>>
    %dma_wait3A_158 = tpu.memref_squeeze %dma_wait3A_157 : memref<1x1024x32xf32, #tpu.memory_space<vmem>> -> memref<1024x32xf32, #tpu.memory_space<vmem>>
    %dma_wait3A_159 = arith.constant 0 : i32
    %dma_wait3A_160 = tpu.memref_slice %arg4[%add3A_85, %dma_wait3A_159] : memref<327680x32xf32, #tpu.memory_space<hbm>> -> memref<1024x32xf32, #tpu.memory_space<hbm>>
    %dma_wait3A_161 = arith.constant 0 : i32
    %dma_wait3A_162 = tpu.memref_slice %arg4[%add3A_85, %dma_wait3A_161] : memref<327680x32xf32, #tpu.memory_space<hbm>> -> memref<1024x32xf32, #tpu.memory_space<hbm>>
    %dma_wait3A_163 = arith.constant 0 : i32
    %dma_wait3A_164 = arith.constant 0 : i32
    %dma_wait3A_165 = tpu.memref_slice %arg6[%dma_wait3A_154, %dma_wait3A_163, %dma_wait3A_164] : memref<3x1024x32xf32, #tpu.memory_space<vmem>> -> memref<1x1024x32xf32, #tpu.memory_space<vmem>>
    %dma_wait3A_166 = tpu.memref_squeeze %dma_wait3A_165 : memref<1x1024x32xf32, #tpu.memory_space<vmem>> -> memref<1024x32xf32, #tpu.memory_space<vmem>>
    tpu.wait_dma2 semaphore(%arg11 : memref<!tpu.dma_semaphore, #tpu.memory_space<semaphore_mem>>) src(%dma_wait3A_166 : memref<1024x32xf32, #tpu.memory_space<vmem>>) dst(%dma_wait3A_162 : memref<1024x32xf32, #tpu.memory_space<hbm>>)
    %add3A_167 = arith.constant 4096 : i32
    %add3A_168 = arith.addi %mul3A_2, %add3A_167 : i32
    %run_scoped3A_169 = arith.constant 1 : i32
    "tpu.region"() ({
      %run_scoped3A_550 = tpu.sem_alloc : memref<!tpu.dma_semaphore, #tpu.memory_space<semaphore_mem>>
      %dma_start3A_551 = arith.constant 0 : i32
      %dma_start3A_552 = tpu.memref_slice %arg5[%run_scoped3A_169, %dma_start3A_551] : memref<3x1024xi32, #tpu.memory_space<vmem>> -> memref<1x1024xi32, #tpu.memory_space<vmem>>
      %dma_start3A_553 = tpu.memref_squeeze %dma_start3A_552 : memref<1x1024xi32, #tpu.memory_space<vmem>> -> memref<1024xi32, #tpu.memory_space<vmem>>
      %dma_start3A_554 = tpu.memref_slice %arg2[%add3A_168] : memref<327680xi32, #tpu.memory_space<hbm>> -> memref<1024xi32, #tpu.memory_space<hbm>>
      %dma_start3A_555 = arith.constant 0 : i32
      %dma_start3A_556 = tpu.memref_slice %arg5[%run_scoped3A_169, %dma_start3A_555] : memref<3x1024xi32, #tpu.memory_space<vmem>> -> memref<1x1024xi32, #tpu.memory_space<vmem>>
      %dma_start3A_557 = tpu.memref_squeeze %dma_start3A_556 : memref<1x1024xi32, #tpu.memory_space<vmem>> -> memref<1024xi32, #tpu.memory_space<vmem>>
      %dma_start3A_558 = tpu.memref_slice %arg2[%add3A_168] : memref<327680xi32, #tpu.memory_space<hbm>> -> memref<1024xi32, #tpu.memory_space<hbm>>
      tpu.enqueue_dma source(%dma_start3A_558 : memref<1024xi32, #tpu.memory_space<hbm>>) target(%dma_start3A_557 : memref<1024xi32, #tpu.memory_space<vmem>>) target_semaphore(%run_scoped3A_550 : memref<!tpu.dma_semaphore, #tpu.memory_space<semaphore_mem>>)
      %dma_wait3A_559 = arith.constant 0 : i32
      %dma_wait3A_560 = tpu.memref_slice %arg5[%run_scoped3A_169, %dma_wait3A_559] : memref<3x1024xi32, #tpu.memory_space<vmem>> -> memref<1x1024xi32, #tpu.memory_space<vmem>>
      %dma_wait3A_561 = tpu.memref_squeeze %dma_wait3A_560 : memref<1x1024xi32, #tpu.memory_space<vmem>> -> memref<1024xi32, #tpu.memory_space<vmem>>
      %dma_wait3A_562 = tpu.memref_slice %arg2[%add3A_168] : memref<327680xi32, #tpu.memory_space<hbm>> -> memref<1024xi32, #tpu.memory_space<hbm>>
      %dma_wait3A_563 = arith.constant 0 : i32
      %dma_wait3A_564 = tpu.memref_slice %arg5[%run_scoped3A_169, %dma_wait3A_563] : memref<3x1024xi32, #tpu.memory_space<vmem>> -> memref<1x1024xi32, #tpu.memory_space<vmem>>
      %dma_wait3A_565 = tpu.memref_squeeze %dma_wait3A_564 : memref<1x1024xi32, #tpu.memory_space<vmem>> -> memref<1024xi32, #tpu.memory_space<vmem>>
      %dma_wait3A_566 = tpu.memref_slice %arg2[%add3A_168] : memref<327680xi32, #tpu.memory_space<hbm>> -> memref<1024xi32, #tpu.memory_space<hbm>>
      tpu.wait_dma2 semaphore(%run_scoped3A_550 : memref<!tpu.dma_semaphore, #tpu.memory_space<semaphore_mem>>) src(%dma_wait3A_566 : memref<1024xi32, #tpu.memory_space<hbm>>) dst(%dma_wait3A_565 : memref<1024xi32, #tpu.memory_space<vmem>>)
      tpu.yield
    }) : () -> ()
    %dma_start3A_170 = arith.constant 1 : i32
    %dma_start3A_171 = arith.constant 1 : i32
    %dma_start3A_172 = arith.constant 0 : i32
    %dma_start3A_173 = arith.constant 0 : i32
    %dma_start3A_174 = tpu.memref_slice %arg6[%dma_start3A_171, %dma_start3A_172, %dma_start3A_173] : memref<3x1024x32xf32, #tpu.memory_space<vmem>> -> memref<1x1024x32xf32, #tpu.memory_space<vmem>>
    %dma_start3A_175 = tpu.memref_squeeze %dma_start3A_174 : memref<1x1024x32xf32, #tpu.memory_space<vmem>> -> memref<1024x32xf32, #tpu.memory_space<vmem>>
    %dma_start3A_176 = arith.constant 0 : i32
    %dma_start3A_177 = tpu.memref_slice %arg5[%dma_start3A_170, %dma_start3A_176] : memref<3x1024xi32, #tpu.memory_space<vmem>> -> memref<1x1024xi32, #tpu.memory_space<vmem>>
    %dma_start3A_178 = tpu.memref_squeeze %dma_start3A_177 : memref<1x1024xi32, #tpu.memory_space<vmem>> -> memref<1024xi32, #tpu.memory_space<vmem>>
    %dma_start3A_179 = arith.constant 0 : i32
    %dma_start3A_180 = arith.constant 0 : i32
    %dma_start3A_181 = tpu.memref_slice %arg3[%dma_start3A_179, %dma_start3A_180] : memref<1015808x32xf32, #tpu.memory_space<hbm>> -> memref<1015808x32xf32, #tpu.memory_space<hbm>>
    tpu.enqueue_indirect_dma source(%dma_start3A_181 : memref<1015808x32xf32, #tpu.memory_space<hbm>>) target(%dma_start3A_175 : memref<1024x32xf32, #tpu.memory_space<vmem>>) offsets(%dma_start3A_178 : memref<1024xi32, #tpu.memory_space<vmem>>) semaphore(%arg8 : memref<!tpu.dma_semaphore, #tpu.memory_space<semaphore_mem>>)
    %dma_wait3A_182 = arith.constant 0 : i32
    %dma_wait3A_183 = arith.constant 0 : i32
    %dma_wait3A_184 = arith.constant 0 : i32
    %dma_wait3A_185 = arith.constant 0 : i32
    %dma_wait3A_186 = tpu.memref_slice %arg6[%dma_wait3A_183, %dma_wait3A_184, %dma_wait3A_185] : memref<3x1024x32xf32, #tpu.memory_space<vmem>> -> memref<1x1024x32xf32, #tpu.memory_space<vmem>>
    %dma_wait3A_187 = tpu.memref_squeeze %dma_wait3A_186 : memref<1x1024x32xf32, #tpu.memory_space<vmem>> -> memref<1024x32xf32, #tpu.memory_space<vmem>>
    %dma_wait3A_188 = arith.constant 0 : i32
    %dma_wait3A_189 = tpu.memref_slice %arg5[%dma_wait3A_182, %dma_wait3A_188] : memref<3x1024xi32, #tpu.memory_space<vmem>> -> memref<1x1024xi32, #tpu.memory_space<vmem>>
    %dma_wait3A_190 = tpu.memref_squeeze %dma_wait3A_189 : memref<1x1024xi32, #tpu.memory_space<vmem>> -> memref<1024xi32, #tpu.memory_space<vmem>>
    %dma_wait3A_191 = arith.constant 0 : i32
    %dma_wait3A_192 = arith.constant 0 : i32
    %dma_wait3A_193 = tpu.memref_slice %arg3[%dma_wait3A_191, %dma_wait3A_192] : memref<1015808x32xf32, #tpu.memory_space<hbm>> -> memref<1015808x32xf32, #tpu.memory_space<hbm>>
    tpu.wait_indirect_dma semaphore(%arg7 : memref<!tpu.dma_semaphore, #tpu.memory_space<semaphore_mem>>) src(%dma_wait3A_193 : memref<1015808x32xf32, #tpu.memory_space<hbm>>) dst(%dma_wait3A_187 : memref<1024x32xf32, #tpu.memory_space<vmem>>)
    %add3A_194 = arith.constant 3072 : i32
    %add3A_195 = arith.addi %mul3A_2, %add3A_194 : i32
    %dma_start3A_196 = arith.constant 0 : i32
    %dma_start3A_197 = arith.constant 0 : i32
    %dma_start3A_198 = arith.constant 0 : i32
    %dma_start3A_199 = tpu.memref_slice %arg6[%dma_start3A_196, %dma_start3A_197, %dma_start3A_198] : memref<3x1024x32xf32, #tpu.memory_space<vmem>> -> memref<1x1024x32xf32, #tpu.memory_space<vmem>>
    %dma_start3A_200 = tpu.memref_squeeze %dma_start3A_199 : memref<1x1024x32xf32, #tpu.memory_space<vmem>> -> memref<1024x32xf32, #tpu.memory_space<vmem>>
    %dma_start3A_201 = arith.constant 0 : i32
    %dma_start3A_202 = tpu.memref_slice %arg4[%add3A_195, %dma_start3A_201] : memref<327680x32xf32, #tpu.memory_space<hbm>> -> memref<1024x32xf32, #tpu.memory_space<hbm>>
    %dma_start3A_203 = arith.constant 0 : i32
    %dma_start3A_204 = tpu.memref_slice %arg4[%add3A_195, %dma_start3A_203] : memref<327680x32xf32, #tpu.memory_space<hbm>> -> memref<1024x32xf32, #tpu.memory_space<hbm>>
    %dma_start3A_205 = arith.constant 0 : i32
    %dma_start3A_206 = arith.constant 0 : i32
    %dma_start3A_207 = tpu.memref_slice %arg6[%dma_start3A_196, %dma_start3A_205, %dma_start3A_206] : memref<3x1024x32xf32, #tpu.memory_space<vmem>> -> memref<1x1024x32xf32, #tpu.memory_space<vmem>>
    %dma_start3A_208 = tpu.memref_squeeze %dma_start3A_207 : memref<1x1024x32xf32, #tpu.memory_space<vmem>> -> memref<1024x32xf32, #tpu.memory_space<vmem>>
    tpu.enqueue_dma source(%dma_start3A_208 : memref<1024x32xf32, #tpu.memory_space<vmem>>) target(%dma_start3A_204 : memref<1024x32xf32, #tpu.memory_space<hbm>>) target_semaphore(%arg10 : memref<!tpu.dma_semaphore, #tpu.memory_space<semaphore_mem>>)
    %dma_wait3A_209 = arith.constant 2 : i32
    %dma_wait3A_210 = arith.constant 0 : i32
    %dma_wait3A_211 = arith.constant 0 : i32
    %dma_wait3A_212 = tpu.memref_slice %arg6[%dma_wait3A_209, %dma_wait3A_210, %dma_wait3A_211] : memref<3x1024x32xf32, #tpu.memory_space<vmem>> -> memref<1x1024x32xf32, #tpu.memory_space<vmem>>
    %dma_wait3A_213 = tpu.memref_squeeze %dma_wait3A_212 : memref<1x1024x32xf32, #tpu.memory_space<vmem>> -> memref<1024x32xf32, #tpu.memory_space<vmem>>
    %dma_wait3A_214 = arith.constant 0 : i32
    %dma_wait3A_215 = tpu.memref_slice %arg4[%add3A_140, %dma_wait3A_214] : memref<327680x32xf32, #tpu.memory_space<hbm>> -> memref<1024x32xf32, #tpu.memory_space<hbm>>
    %dma_wait3A_216 = arith.constant 0 : i32
    %dma_wait3A_217 = tpu.memref_slice %arg4[%add3A_140, %dma_wait3A_216] : memref<327680x32xf32, #tpu.memory_space<hbm>> -> memref<1024x32xf32, #tpu.memory_space<hbm>>
    %dma_wait3A_218 = arith.constant 0 : i32
    %dma_wait3A_219 = arith.constant 0 : i32
    %dma_wait3A_220 = tpu.memref_slice %arg6[%dma_wait3A_209, %dma_wait3A_218, %dma_wait3A_219] : memref<3x1024x32xf32, #tpu.memory_space<vmem>> -> memref<1x1024x32xf32, #tpu.memory_space<vmem>>
    %dma_wait3A_221 = tpu.memref_squeeze %dma_wait3A_220 : memref<1x1024x32xf32, #tpu.memory_space<vmem>> -> memref<1024x32xf32, #tpu.memory_space<vmem>>
    tpu.wait_dma2 semaphore(%arg12 : memref<!tpu.dma_semaphore, #tpu.memory_space<semaphore_mem>>) src(%dma_wait3A_221 : memref<1024x32xf32, #tpu.memory_space<vmem>>) dst(%dma_wait3A_217 : memref<1024x32xf32, #tpu.memory_space<hbm>>)
    %add3A_222 = arith.constant 5120 : i32
    %add3A_223 = arith.addi %mul3A_2, %add3A_222 : i32
    %run_scoped3A_224 = arith.constant 2 : i32
    "tpu.region"() ({
      %run_scoped3A_550 = tpu.sem_alloc : memref<!tpu.dma_semaphore, #tpu.memory_space<semaphore_mem>>
      %dma_start3A_551 = arith.constant 0 : i32
      %dma_start3A_552 = tpu.memref_slice %arg5[%run_scoped3A_224, %dma_start3A_551] : memref<3x1024xi32, #tpu.memory_space<vmem>> -> memref<1x1024xi32, #tpu.memory_space<vmem>>
      %dma_start3A_553 = tpu.memref_squeeze %dma_start3A_552 : memref<1x1024xi32, #tpu.memory_space<vmem>> -> memref<1024xi32, #tpu.memory_space<vmem>>
      %dma_start3A_554 = tpu.memref_slice %arg2[%add3A_223] : memref<327680xi32, #tpu.memory_space<hbm>> -> memref<1024xi32, #tpu.memory_space<hbm>>
      %dma_start3A_555 = arith.constant 0 : i32
      %dma_start3A_556 = tpu.memref_slice %arg5[%run_scoped3A_224, %dma_start3A_555] : memref<3x1024xi32, #tpu.memory_space<vmem>> -> memref<1x1024xi32, #tpu.memory_space<vmem>>
      %dma_start3A_557 = tpu.memref_squeeze %dma_start3A_556 : memref<1x1024xi32, #tpu.memory_space<vmem>> -> memref<1024xi32, #tpu.memory_space<vmem>>
      %dma_start3A_558 = tpu.memref_slice %arg2[%add3A_223] : memref<327680xi32, #tpu.memory_space<hbm>> -> memref<1024xi32, #tpu.memory_space<hbm>>
      tpu.enqueue_dma source(%dma_start3A_558 : memref<1024xi32, #tpu.memory_space<hbm>>) target(%dma_start3A_557 : memref<1024xi32, #tpu.memory_space<vmem>>) target_semaphore(%run_scoped3A_550 : memref<!tpu.dma_semaphore, #tpu.memory_space<semaphore_mem>>)
      %dma_wait3A_559 = arith.constant 0 : i32
      %dma_wait3A_560 = tpu.memref_slice %arg5[%run_scoped3A_224, %dma_wait3A_559] : memref<3x1024xi32, #tpu.memory_space<vmem>> -> memref<1x1024xi32, #tpu.memory_space<vmem>>
      %dma_wait3A_561 = tpu.memref_squeeze %dma_wait3A_560 : memref<1x1024xi32, #tpu.memory_space<vmem>> -> memref<1024xi32, #tpu.memory_space<vmem>>
      %dma_wait3A_562 = tpu.memref_slice %arg2[%add3A_223] : memref<327680xi32, #tpu.memory_space<hbm>> -> memref<1024xi32, #tpu.memory_space<hbm>>
      %dma_wait3A_563 = arith.constant 0 : i32
      %dma_wait3A_564 = tpu.memref_slice %arg5[%run_scoped3A_224, %dma_wait3A_563] : memref<3x1024xi32, #tpu.memory_space<vmem>> -> memref<1x1024xi32, #tpu.memory_space<vmem>>
      %dma_wait3A_565 = tpu.memref_squeeze %dma_wait3A_564 : memref<1x1024xi32, #tpu.memory_space<vmem>> -> memref<1024xi32, #tpu.memory_space<vmem>>
      %dma_wait3A_566 = tpu.memref_slice %arg2[%add3A_223] : memref<327680xi32, #tpu.memory_space<hbm>> -> memref<1024xi32, #tpu.memory_space<hbm>>
      tpu.wait_dma2 semaphore(%run_scoped3A_550 : memref<!tpu.dma_semaphore, #tpu.memory_space<semaphore_mem>>) src(%dma_wait3A_566 : memref<1024xi32, #tpu.memory_space<hbm>>) dst(%dma_wait3A_565 : memref<1024xi32, #tpu.memory_space<vmem>>)
      tpu.yield
    }) : () -> ()
    %dma_start3A_225 = arith.constant 2 : i32
    %dma_start3A_226 = arith.constant 2 : i32
    %dma_start3A_227 = arith.constant 0 : i32
    %dma_start3A_228 = arith.constant 0 : i32
    %dma_start3A_229 = tpu.memref_slice %arg6[%dma_start3A_226, %dma_start3A_227, %dma_start3A_228] : memref<3x1024x32xf32, #tpu.memory_space<vmem>> -> memref<1x1024x32xf32, #tpu.memory_space<vmem>>
    %dma_start3A_230 = tpu.memref_squeeze %dma_start3A_229 : memref<1x1024x32xf32, #tpu.memory_space<vmem>> -> memref<1024x32xf32, #tpu.memory_space<vmem>>
    %dma_start3A_231 = arith.constant 0 : i32
    %dma_start3A_232 = tpu.memref_slice %arg5[%dma_start3A_225, %dma_start3A_231] : memref<3x1024xi32, #tpu.memory_space<vmem>> -> memref<1x1024xi32, #tpu.memory_space<vmem>>
    %dma_start3A_233 = tpu.memref_squeeze %dma_start3A_232 : memref<1x1024xi32, #tpu.memory_space<vmem>> -> memref<1024xi32, #tpu.memory_space<vmem>>
    %dma_start3A_234 = arith.constant 0 : i32
    %dma_start3A_235 = arith.constant 0 : i32
    %dma_start3A_236 = tpu.memref_slice %arg3[%dma_start3A_234, %dma_start3A_235] : memref<1015808x32xf32, #tpu.memory_space<hbm>> -> memref<1015808x32xf32, #tpu.memory_space<hbm>>
    tpu.enqueue_indirect_dma source(%dma_start3A_236 : memref<1015808x32xf32, #tpu.memory_space<hbm>>) target(%dma_start3A_230 : memref<1024x32xf32, #tpu.memory_space<vmem>>) offsets(%dma_start3A_233 : memref<1024xi32, #tpu.memory_space<vmem>>) semaphore(%arg9 : memref<!tpu.dma_semaphore, #tpu.memory_space<semaphore_mem>>)
    %dma_wait3A_237 = arith.constant 1 : i32
    %dma_wait3A_238 = arith.constant 1 : i32
    %dma_wait3A_239 = arith.constant 0 : i32
    %dma_wait3A_240 = arith.constant 0 : i32
    %dma_wait3A_241 = tpu.memref_slice %arg6[%dma_wait3A_238, %dma_wait3A_239, %dma_wait3A_240] : memref<3x1024x32xf32, #tpu.memory_space<vmem>> -> memref<1x1024x32xf32, #tpu.memory_space<vmem>>
    %dma_wait3A_242 = tpu.memref_squeeze %dma_wait3A_241 : memref<1x1024x32xf32, #tpu.memory_space<vmem>> -> memref<1024x32xf32, #tpu.memory_space<vmem>>
    %dma_wait3A_243 = arith.constant 0 : i32
    %dma_wait3A_244 = tpu.memref_slice %arg5[%dma_wait3A_237, %dma_wait3A_243] : memref<3x1024xi32, #tpu.memory_space<vmem>> -> memref<1x1024xi32, #tpu.memory_space<vmem>>
    %dma_wait3A_245 = tpu.memref_squeeze %dma_wait3A_244 : memref<1x1024xi32, #tpu.memory_space<vmem>> -> memref<1024xi32, #tpu.memory_space<vmem>>
    %dma_wait3A_246 = arith.constant 0 : i32
    %dma_wait3A_247 = arith.constant 0 : i32
    %dma_wait3A_248 = tpu.memref_slice %arg3[%dma_wait3A_246, %dma_wait3A_247] : memref<1015808x32xf32, #tpu.memory_space<hbm>> -> memref<1015808x32xf32, #tpu.memory_space<hbm>>
    tpu.wait_indirect_dma semaphore(%arg8 : memref<!tpu.dma_semaphore, #tpu.memory_space<semaphore_mem>>) src(%dma_wait3A_248 : memref<1015808x32xf32, #tpu.memory_space<hbm>>) dst(%dma_wait3A_242 : memref<1024x32xf32, #tpu.memory_space<vmem>>)
    %add3A_249 = arith.constant 4096 : i32
    %add3A_250 = arith.addi %mul3A_2, %add3A_249 : i32
    %dma_start3A_251 = arith.constant 1 : i32
    %dma_start3A_252 = arith.constant 0 : i32
    %dma_start3A_253 = arith.constant 0 : i32
    %dma_start3A_254 = tpu.memref_slice %arg6[%dma_start3A_251, %dma_start3A_252, %dma_start3A_253] : memref<3x1024x32xf32, #tpu.memory_space<vmem>> -> memref<1x1024x32xf32, #tpu.memory_space<vmem>>
    %dma_start3A_255 = tpu.memref_squeeze %dma_start3A_254 : memref<1x1024x32xf32, #tpu.memory_space<vmem>> -> memref<1024x32xf32, #tpu.memory_space<vmem>>
    %dma_start3A_256 = arith.constant 0 : i32
    %dma_start3A_257 = tpu.memref_slice %arg4[%add3A_250, %dma_start3A_256] : memref<327680x32xf32, #tpu.memory_space<hbm>> -> memref<1024x32xf32, #tpu.memory_space<hbm>>
    %dma_start3A_258 = arith.constant 0 : i32
    %dma_start3A_259 = tpu.memref_slice %arg4[%add3A_250, %dma_start3A_258] : memref<327680x32xf32, #tpu.memory_space<hbm>> -> memref<1024x32xf32, #tpu.memory_space<hbm>>
    %dma_start3A_260 = arith.constant 0 : i32
    %dma_start3A_261 = arith.constant 0 : i32
    %dma_start3A_262 = tpu.memref_slice %arg6[%dma_start3A_251, %dma_start3A_260, %dma_start3A_261] : memref<3x1024x32xf32, #tpu.memory_space<vmem>> -> memref<1x1024x32xf32, #tpu.memory_space<vmem>>
    %dma_start3A_263 = tpu.memref_squeeze %dma_start3A_262 : memref<1x1024x32xf32, #tpu.memory_space<vmem>> -> memref<1024x32xf32, #tpu.memory_space<vmem>>
    tpu.enqueue_dma source(%dma_start3A_263 : memref<1024x32xf32, #tpu.memory_space<vmem>>) target(%dma_start3A_259 : memref<1024x32xf32, #tpu.memory_space<hbm>>) target_semaphore(%arg11 : memref<!tpu.dma_semaphore, #tpu.memory_space<semaphore_mem>>)
    %dma_wait3A_264 = arith.constant 0 : i32
    %dma_wait3A_265 = arith.constant 0 : i32
    %dma_wait3A_266 = arith.constant 0 : i32
    %dma_wait3A_267 = tpu.memref_slice %arg6[%dma_wait3A_264, %dma_wait3A_265, %dma_wait3A_266] : memref<3x1024x32xf32, #tpu.memory_space<vmem>> -> memref<1x1024x32xf32, #tpu.memory_space<vmem>>
    %dma_wait3A_268 = tpu.memref_squeeze %dma_wait3A_267 : memref<1x1024x32xf32, #tpu.memory_space<vmem>> -> memref<1024x32xf32, #tpu.memory_space<vmem>>
    %dma_wait3A_269 = arith.constant 0 : i32
    %dma_wait3A_270 = tpu.memref_slice %arg4[%add3A_195, %dma_wait3A_269] : memref<327680x32xf32, #tpu.memory_space<hbm>> -> memref<1024x32xf32, #tpu.memory_space<hbm>>
    %dma_wait3A_271 = arith.constant 0 : i32
    %dma_wait3A_272 = tpu.memref_slice %arg4[%add3A_195, %dma_wait3A_271] : memref<327680x32xf32, #tpu.memory_space<hbm>> -> memref<1024x32xf32, #tpu.memory_space<hbm>>
    %dma_wait3A_273 = arith.constant 0 : i32
    %dma_wait3A_274 = arith.constant 0 : i32
    %dma_wait3A_275 = tpu.memref_slice %arg6[%dma_wait3A_264, %dma_wait3A_273, %dma_wait3A_274] : memref<3x1024x32xf32, #tpu.memory_space<vmem>> -> memref<1x1024x32xf32, #tpu.memory_space<vmem>>
    %dma_wait3A_276 = tpu.memref_squeeze %dma_wait3A_275 : memref<1x1024x32xf32, #tpu.memory_space<vmem>> -> memref<1024x32xf32, #tpu.memory_space<vmem>>
    tpu.wait_dma2 semaphore(%arg10 : memref<!tpu.dma_semaphore, #tpu.memory_space<semaphore_mem>>) src(%dma_wait3A_276 : memref<1024x32xf32, #tpu.memory_space<vmem>>) dst(%dma_wait3A_272 : memref<1024x32xf32, #tpu.memory_space<hbm>>)
    %add3A_277 = arith.constant 6144 : i32
    %add3A_278 = arith.addi %mul3A_2, %add3A_277 : i32
    %run_scoped3A_279 = arith.constant 0 : i32
    "tpu.region"() ({
      %run_scoped3A_550 = tpu.sem_alloc : memref<!tpu.dma_semaphore, #tpu.memory_space<semaphore_mem>>
      %dma_start3A_551 = arith.constant 0 : i32
      %dma_start3A_552 = tpu.memref_slice %arg5[%run_scoped3A_279, %dma_start3A_551] : memref<3x1024xi32, #tpu.memory_space<vmem>> -> memref<1x1024xi32, #tpu.memory_space<vmem>>
      %dma_start3A_553 = tpu.memref_squeeze %dma_start3A_552 : memref<1x1024xi32, #tpu.memory_space<vmem>> -> memref<1024xi32, #tpu.memory_space<vmem>>
      %dma_start3A_554 = tpu.memref_slice %arg2[%add3A_278] : memref<327680xi32, #tpu.memory_space<hbm>> -> memref<1024xi32, #tpu.memory_space<hbm>>
      %dma_start3A_555 = arith.constant 0 : i32
      %dma_start3A_556 = tpu.memref_slice %arg5[%run_scoped3A_279, %dma_start3A_555] : memref<3x1024xi32, #tpu.memory_space<vmem>> -> memref<1x1024xi32, #tpu.memory_space<vmem>>
      %dma_start3A_557 = tpu.memref_squeeze %dma_start3A_556 : memref<1x1024xi32, #tpu.memory_space<vmem>> -> memref<1024xi32, #tpu.memory_space<vmem>>
      %dma_start3A_558 = tpu.memref_slice %arg2[%add3A_278] : memref<327680xi32, #tpu.memory_space<hbm>> -> memref<1024xi32, #tpu.memory_space<hbm>>
      tpu.enqueue_dma source(%dma_start3A_558 : memref<1024xi32, #tpu.memory_space<hbm>>) target(%dma_start3A_557 : memref<1024xi32, #tpu.memory_space<vmem>>) target_semaphore(%run_scoped3A_550 : memref<!tpu.dma_semaphore, #tpu.memory_space<semaphore_mem>>)
      %dma_wait3A_559 = arith.constant 0 : i32
      %dma_wait3A_560 = tpu.memref_slice %arg5[%run_scoped3A_279, %dma_wait3A_559] : memref<3x1024xi32, #tpu.memory_space<vmem>> -> memref<1x1024xi32, #tpu.memory_space<vmem>>
      %dma_wait3A_561 = tpu.memref_squeeze %dma_wait3A_560 : memref<1x1024xi32, #tpu.memory_space<vmem>> -> memref<1024xi32, #tpu.memory_space<vmem>>
      %dma_wait3A_562 = tpu.memref_slice %arg2[%add3A_278] : memref<327680xi32, #tpu.memory_space<hbm>> -> memref<1024xi32, #tpu.memory_space<hbm>>
      %dma_wait3A_563 = arith.constant 0 : i32
      %dma_wait3A_564 = tpu.memref_slice %arg5[%run_scoped3A_279, %dma_wait3A_563] : memref<3x1024xi32, #tpu.memory_space<vmem>> -> memref<1x1024xi32, #tpu.memory_space<vmem>>
      %dma_wait3A_565 = tpu.memref_squeeze %dma_wait3A_564 : memref<1x1024xi32, #tpu.memory_space<vmem>> -> memref<1024xi32, #tpu.memory_space<vmem>>
      %dma_wait3A_566 = tpu.memref_slice %arg2[%add3A_278] : memref<327680xi32, #tpu.memory_space<hbm>> -> memref<1024xi32, #tpu.memory_space<hbm>>
      tpu.wait_dma2 semaphore(%run_scoped3A_550 : memref<!tpu.dma_semaphore, #tpu.memory_space<semaphore_mem>>) src(%dma_wait3A_566 : memref<1024xi32, #tpu.memory_space<hbm>>) dst(%dma_wait3A_565 : memref<1024xi32, #tpu.memory_space<vmem>>)
      tpu.yield
    }) : () -> ()
    %dma_start3A_280 = arith.constant 0 : i32
    %dma_start3A_281 = arith.constant 0 : i32
    %dma_start3A_282 = arith.constant 0 : i32
    %dma_start3A_283 = arith.constant 0 : i32
    %dma_start3A_284 = tpu.memref_slice %arg6[%dma_start3A_281, %dma_start3A_282, %dma_start3A_283] : memref<3x1024x32xf32, #tpu.memory_space<vmem>> -> memref<1x1024x32xf32, #tpu.memory_space<vmem>>
    %dma_start3A_285 = tpu.memref_squeeze %dma_start3A_284 : memref<1x1024x32xf32, #tpu.memory_space<vmem>> -> memref<1024x32xf32, #tpu.memory_space<vmem>>
    %dma_start3A_286 = arith.constant 0 : i32
    %dma_start3A_287 = tpu.memref_slice %arg5[%dma_start3A_280, %dma_start3A_286] : memref<3x1024xi32, #tpu.memory_space<vmem>> -> memref<1x1024xi32, #tpu.memory_space<vmem>>
    %dma_start3A_288 = tpu.memref_squeeze %dma_start3A_287 : memref<1x1024xi32, #tpu.memory_space<vmem>> -> memref<1024xi32, #tpu.memory_space<vmem>>
    %dma_start3A_289 = arith.constant 0 : i32
    %dma_start3A_290 = arith.constant 0 : i32
    %dma_start3A_291 = tpu.memref_slice %arg3[%dma_start3A_289, %dma_start3A_290] : memref<1015808x32xf32, #tpu.memory_space<hbm>> -> memref<1015808x32xf32, #tpu.memory_space<hbm>>
    tpu.enqueue_indirect_dma source(%dma_start3A_291 : memref<1015808x32xf32, #tpu.memory_space<hbm>>) target(%dma_start3A_285 : memref<1024x32xf32, #tpu.memory_space<vmem>>) offsets(%dma_start3A_288 : memref<1024xi32, #tpu.memory_space<vmem>>) semaphore(%arg7 : memref<!tpu.dma_semaphore, #tpu.memory_space<semaphore_mem>>)
    %dma_wait3A_292 = arith.constant 2 : i32
    %dma_wait3A_293 = arith.constant 2 : i32
    %dma_wait3A_294 = arith.constant 0 : i32
    %dma_wait3A_295 = arith.constant 0 : i32
    %dma_wait3A_296 = tpu.memref_slice %arg6[%dma_wait3A_293, %dma_wait3A_294, %dma_wait3A_295] : memref<3x1024x32xf32, #tpu.memory_space<vmem>> -> memref<1x1024x32xf32, #tpu.memory_space<vmem>>
    %dma_wait3A_297 = tpu.memref_squeeze %dma_wait3A_296 : memref<1x1024x32xf32, #tpu.memory_space<vmem>> -> memref<1024x32xf32, #tpu.memory_space<vmem>>
    %dma_wait3A_298 = arith.constant 0 : i32
    %dma_wait3A_299 = tpu.memref_slice %arg5[%dma_wait3A_292, %dma_wait3A_298] : memref<3x1024xi32, #tpu.memory_space<vmem>> -> memref<1x1024xi32, #tpu.memory_space<vmem>>
    %dma_wait3A_300 = tpu.memref_squeeze %dma_wait3A_299 : memref<1x1024xi32, #tpu.memory_space<vmem>> -> memref<1024xi32, #tpu.memory_space<vmem>>
    %dma_wait3A_301 = arith.constant 0 : i32
    %dma_wait3A_302 = arith.constant 0 : i32
    %dma_wait3A_303 = tpu.memref_slice %arg3[%dma_wait3A_301, %dma_wait3A_302] : memref<1015808x32xf32, #tpu.memory_space<hbm>> -> memref<1015808x32xf32, #tpu.memory_space<hbm>>
    tpu.wait_indirect_dma semaphore(%arg9 : memref<!tpu.dma_semaphore, #tpu.memory_space<semaphore_mem>>) src(%dma_wait3A_303 : memref<1015808x32xf32, #tpu.memory_space<hbm>>) dst(%dma_wait3A_297 : memref<1024x32xf32, #tpu.memory_space<vmem>>)
    %add3A_304 = arith.constant 5120 : i32
    %add3A_305 = arith.addi %mul3A_2, %add3A_304 : i32
    %dma_start3A_306 = arith.constant 2 : i32
    %dma_start3A_307 = arith.constant 0 : i32
    %dma_start3A_308 = arith.constant 0 : i32
    %dma_start3A_309 = tpu.memref_slice %arg6[%dma_start3A_306, %dma_start3A_307, %dma_start3A_308] : memref<3x1024x32xf32, #tpu.memory_space<vmem>> -> memref<1x1024x32xf32, #tpu.memory_space<vmem>>
    %dma_start3A_310 = tpu.memref_squeeze %dma_start3A_309 : memref<1x1024x32xf32, #tpu.memory_space<vmem>> -> memref<1024x32xf32, #tpu.memory_space<vmem>>
    %dma_start3A_311 = arith.constant 0 : i32
    %dma_start3A_312 = tpu.memref_slice %arg4[%add3A_305, %dma_start3A_311] : memref<327680x32xf32, #tpu.memory_space<hbm>> -> memref<1024x32xf32, #tpu.memory_space<hbm>>
    %dma_start3A_313 = arith.constant 0 : i32
    %dma_start3A_314 = tpu.memref_slice %arg4[%add3A_305, %dma_start3A_313] : memref<327680x32xf32, #tpu.memory_space<hbm>> -> memref<1024x32xf32, #tpu.memory_space<hbm>>
    %dma_start3A_315 = arith.constant 0 : i32
    %dma_start3A_316 = arith.constant 0 : i32
    %dma_start3A_317 = tpu.memref_slice %arg6[%dma_start3A_306, %dma_start3A_315, %dma_start3A_316] : memref<3x1024x32xf32, #tpu.memory_space<vmem>> -> memref<1x1024x32xf32, #tpu.memory_space<vmem>>
    %dma_start3A_318 = tpu.memref_squeeze %dma_start3A_317 : memref<1x1024x32xf32, #tpu.memory_space<vmem>> -> memref<1024x32xf32, #tpu.memory_space<vmem>>
    tpu.enqueue_dma source(%dma_start3A_318 : memref<1024x32xf32, #tpu.memory_space<vmem>>) target(%dma_start3A_314 : memref<1024x32xf32, #tpu.memory_space<hbm>>) target_semaphore(%arg12 : memref<!tpu.dma_semaphore, #tpu.memory_space<semaphore_mem>>)
    %dma_wait3A_319 = arith.constant 1 : i32
    %dma_wait3A_320 = arith.constant 0 : i32
    %dma_wait3A_321 = arith.constant 0 : i32
    %dma_wait3A_322 = tpu.memref_slice %arg6[%dma_wait3A_319, %dma_wait3A_320, %dma_wait3A_321] : memref<3x1024x32xf32, #tpu.memory_space<vmem>> -> memref<1x1024x32xf32, #tpu.memory_space<vmem>>
    %dma_wait3A_323 = tpu.memref_squeeze %dma_wait3A_322 : memref<1x1024x32xf32, #tpu.memory_space<vmem>> -> memref<1024x32xf32, #tpu.memory_space<vmem>>
    %dma_wait3A_324 = arith.constant 0 : i32
    %dma_wait3A_325 = tpu.memref_slice %arg4[%add3A_250, %dma_wait3A_324] : memref<327680x32xf32, #tpu.memory_space<hbm>> -> memref<1024x32xf32, #tpu.memory_space<hbm>>
    %dma_wait3A_326 = arith.constant 0 : i32
    %dma_wait3A_327 = tpu.memref_slice %arg4[%add3A_250, %dma_wait3A_326] : memref<327680x32xf32, #tpu.memory_space<hbm>> -> memref<1024x32xf32, #tpu.memory_space<hbm>>
    %dma_wait3A_328 = arith.constant 0 : i32
    %dma_wait3A_329 = arith.constant 0 : i32
    %dma_wait3A_330 = tpu.memref_slice %arg6[%dma_wait3A_319, %dma_wait3A_328, %dma_wait3A_329] : memref<3x1024x32xf32, #tpu.memory_space<vmem>> -> memref<1x1024x32xf32, #tpu.memory_space<vmem>>
    %dma_wait3A_331 = tpu.memref_squeeze %dma_wait3A_330 : memref<1x1024x32xf32, #tpu.memory_space<vmem>> -> memref<1024x32xf32, #tpu.memory_space<vmem>>
    tpu.wait_dma2 semaphore(%arg11 : memref<!tpu.dma_semaphore, #tpu.memory_space<semaphore_mem>>) src(%dma_wait3A_331 : memref<1024x32xf32, #tpu.memory_space<vmem>>) dst(%dma_wait3A_327 : memref<1024x32xf32, #tpu.memory_space<hbm>>)
    %add3A_332 = arith.constant 7168 : i32
    %add3A_333 = arith.addi %mul3A_2, %add3A_332 : i32
    %run_scoped3A_334 = arith.constant 1 : i32
    "tpu.region"() ({
      %run_scoped3A_550 = tpu.sem_alloc : memref<!tpu.dma_semaphore, #tpu.memory_space<semaphore_mem>>
      %dma_start3A_551 = arith.constant 0 : i32
      %dma_start3A_552 = tpu.memref_slice %arg5[%run_scoped3A_334, %dma_start3A_551] : memref<3x1024xi32, #tpu.memory_space<vmem>> -> memref<1x1024xi32, #tpu.memory_space<vmem>>
      %dma_start3A_553 = tpu.memref_squeeze %dma_start3A_552 : memref<1x1024xi32, #tpu.memory_space<vmem>> -> memref<1024xi32, #tpu.memory_space<vmem>>
      %dma_start3A_554 = tpu.memref_slice %arg2[%add3A_333] : memref<327680xi32, #tpu.memory_space<hbm>> -> memref<1024xi32, #tpu.memory_space<hbm>>
      %dma_start3A_555 = arith.constant 0 : i32
      %dma_start3A_556 = tpu.memref_slice %arg5[%run_scoped3A_334, %dma_start3A_555] : memref<3x1024xi32, #tpu.memory_space<vmem>> -> memref<1x1024xi32, #tpu.memory_space<vmem>>
      %dma_start3A_557 = tpu.memref_squeeze %dma_start3A_556 : memref<1x1024xi32, #tpu.memory_space<vmem>> -> memref<1024xi32, #tpu.memory_space<vmem>>
      %dma_start3A_558 = tpu.memref_slice %arg2[%add3A_333] : memref<327680xi32, #tpu.memory_space<hbm>> -> memref<1024xi32, #tpu.memory_space<hbm>>
      tpu.enqueue_dma source(%dma_start3A_558 : memref<1024xi32, #tpu.memory_space<hbm>>) target(%dma_start3A_557 : memref<1024xi32, #tpu.memory_space<vmem>>) target_semaphore(%run_scoped3A_550 : memref<!tpu.dma_semaphore, #tpu.memory_space<semaphore_mem>>)
      %dma_wait3A_559 = arith.constant 0 : i32
      %dma_wait3A_560 = tpu.memref_slice %arg5[%run_scoped3A_334, %dma_wait3A_559] : memref<3x1024xi32, #tpu.memory_space<vmem>> -> memref<1x1024xi32, #tpu.memory_space<vmem>>
      %dma_wait3A_561 = tpu.memref_squeeze %dma_wait3A_560 : memref<1x1024xi32, #tpu.memory_space<vmem>> -> memref<1024xi32, #tpu.memory_space<vmem>>
      %dma_wait3A_562 = tpu.memref_slice %arg2[%add3A_333] : memref<327680xi32, #tpu.memory_space<hbm>> -> memref<1024xi32, #tpu.memory_space<hbm>>
      %dma_wait3A_563 = arith.constant 0 : i32
      %dma_wait3A_564 = tpu.memref_slice %arg5[%run_scoped3A_334, %dma_wait3A_563] : memref<3x1024xi32, #tpu.memory_space<vmem>> -> memref<1x1024xi32, #tpu.memory_space<vmem>>
      %dma_wait3A_565 = tpu.memref_squeeze %dma_wait3A_564 : memref<1x1024xi32, #tpu.memory_space<vmem>> -> memref<1024xi32, #tpu.memory_space<vmem>>
      %dma_wait3A_566 = tpu.memref_slice %arg2[%add3A_333] : memref<327680xi32, #tpu.memory_space<hbm>> -> memref<1024xi32, #tpu.memory_space<hbm>>
      tpu.wait_dma2 semaphore(%run_scoped3A_550 : memref<!tpu.dma_semaphore, #tpu.memory_space<semaphore_mem>>) src(%dma_wait3A_566 : memref<1024xi32, #tpu.memory_space<hbm>>) dst(%dma_wait3A_565 : memref<1024xi32, #tpu.memory_space<vmem>>)
      tpu.yield
    }) : () -> ()
    %dma_start3A_335 = arith.constant 1 : i32
    %dma_start3A_336 = arith.constant 1 : i32
    %dma_start3A_337 = arith.constant 0 : i32
    %dma_start3A_338 = arith.constant 0 : i32
    %dma_start3A_339 = tpu.memref_slice %arg6[%dma_start3A_336, %dma_start3A_337, %dma_start3A_338] : memref<3x1024x32xf32, #tpu.memory_space<vmem>> -> memref<1x1024x32xf32, #tpu.memory_space<vmem>>
    %dma_start3A_340 = tpu.memref_squeeze %dma_start3A_339 : memref<1x1024x32xf32, #tpu.memory_space<vmem>> -> memref<1024x32xf32, #tpu.memory_space<vmem>>
    %dma_start3A_341 = arith.constant 0 : i32
    %dma_start3A_342 = tpu.memref_slice %arg5[%dma_start3A_335, %dma_start3A_341] : memref<3x1024xi32, #tpu.memory_space<vmem>> -> memref<1x1024xi32, #tpu.memory_space<vmem>>
    %dma_start3A_343 = tpu.memref_squeeze %dma_start3A_342 : memref<1x1024xi32, #tpu.memory_space<vmem>> -> memref<1024xi32, #tpu.memory_space<vmem>>
    %dma_start3A_344 = arith.constant 0 : i32
    %dma_start3A_345 = arith.constant 0 : i32
    %dma_start3A_346 = tpu.memref_slice %arg3[%dma_start3A_344, %dma_start3A_345] : memref<1015808x32xf32, #tpu.memory_space<hbm>> -> memref<1015808x32xf32, #tpu.memory_space<hbm>>
    tpu.enqueue_indirect_dma source(%dma_start3A_346 : memref<1015808x32xf32, #tpu.memory_space<hbm>>) target(%dma_start3A_340 : memref<1024x32xf32, #tpu.memory_space<vmem>>) offsets(%dma_start3A_343 : memref<1024xi32, #tpu.memory_space<vmem>>) semaphore(%arg8 : memref<!tpu.dma_semaphore, #tpu.memory_space<semaphore_mem>>)
    %dma_wait3A_347 = arith.constant 0 : i32
    %dma_wait3A_348 = arith.constant 0 : i32
    %dma_wait3A_349 = arith.constant 0 : i32
    %dma_wait3A_350 = arith.constant 0 : i32
    %dma_wait3A_351 = tpu.memref_slice %arg6[%dma_wait3A_348, %dma_wait3A_349, %dma_wait3A_350] : memref<3x1024x32xf32, #tpu.memory_space<vmem>> -> memref<1x1024x32xf32, #tpu.memory_space<vmem>>
    %dma_wait3A_352 = tpu.memref_squeeze %dma_wait3A_351 : memref<1x1024x32xf32, #tpu.memory_space<vmem>> -> memref<1024x32xf32, #tpu.memory_space<vmem>>
    %dma_wait3A_353 = arith.constant 0 : i32
    %dma_wait3A_354 = tpu.memref_slice %arg5[%dma_wait3A_347, %dma_wait3A_353] : memref<3x1024xi32, #tpu.memory_space<vmem>> -> memref<1x1024xi32, #tpu.memory_space<vmem>>
    %dma_wait3A_355 = tpu.memref_squeeze %dma_wait3A_354 : memref<1x1024xi32, #tpu.memory_space<vmem>> -> memref<1024xi32, #tpu.memory_space<vmem>>
    %dma_wait3A_356 = arith.constant 0 : i32
    %dma_wait3A_357 = arith.constant 0 : i32
    %dma_wait3A_358 = tpu.memref_slice %arg3[%dma_wait3A_356, %dma_wait3A_357] : memref<1015808x32xf32, #tpu.memory_space<hbm>> -> memref<1015808x32xf32, #tpu.memory_space<hbm>>
    tpu.wait_indirect_dma semaphore(%arg7 : memref<!tpu.dma_semaphore, #tpu.memory_space<semaphore_mem>>) src(%dma_wait3A_358 : memref<1015808x32xf32, #tpu.memory_space<hbm>>) dst(%dma_wait3A_352 : memref<1024x32xf32, #tpu.memory_space<vmem>>)
    %add3A_359 = arith.constant 6144 : i32
    %add3A_360 = arith.addi %mul3A_2, %add3A_359 : i32
    %dma_start3A_361 = arith.constant 0 : i32
    %dma_start3A_362 = arith.constant 0 : i32
    %dma_start3A_363 = arith.constant 0 : i32
    %dma_start3A_364 = tpu.memref_slice %arg6[%dma_start3A_361, %dma_start3A_362, %dma_start3A_363] : memref<3x1024x32xf32, #tpu.memory_space<vmem>> -> memref<1x1024x32xf32, #tpu.memory_space<vmem>>
    %dma_start3A_365 = tpu.memref_squeeze %dma_start3A_364 : memref<1x1024x32xf32, #tpu.memory_space<vmem>> -> memref<1024x32xf32, #tpu.memory_space<vmem>>
    %dma_start3A_366 = arith.constant 0 : i32
    %dma_start3A_367 = tpu.memref_slice %arg4[%add3A_360, %dma_start3A_366] : memref<327680x32xf32, #tpu.memory_space<hbm>> -> memref<1024x32xf32, #tpu.memory_space<hbm>>
    %dma_start3A_368 = arith.constant 0 : i32
    %dma_start3A_369 = tpu.memref_slice %arg4[%add3A_360, %dma_start3A_368] : memref<327680x32xf32, #tpu.memory_space<hbm>> -> memref<1024x32xf32, #tpu.memory_space<hbm>>
    %dma_start3A_370 = arith.constant 0 : i32
    %dma_start3A_371 = arith.constant 0 : i32
    %dma_start3A_372 = tpu.memref_slice %arg6[%dma_start3A_361, %dma_start3A_370, %dma_start3A_371] : memref<3x1024x32xf32, #tpu.memory_space<vmem>> -> memref<1x1024x32xf32, #tpu.memory_space<vmem>>
    %dma_start3A_373 = tpu.memref_squeeze %dma_start3A_372 : memref<1x1024x32xf32, #tpu.memory_space<vmem>> -> memref<1024x32xf32, #tpu.memory_space<vmem>>
    tpu.enqueue_dma source(%dma_start3A_373 : memref<1024x32xf32, #tpu.memory_space<vmem>>) target(%dma_start3A_369 : memref<1024x32xf32, #tpu.memory_space<hbm>>) target_semaphore(%arg10 : memref<!tpu.dma_semaphore, #tpu.memory_space<semaphore_mem>>)
    %dma_wait3A_374 = arith.constant 2 : i32
    %dma_wait3A_375 = arith.constant 0 : i32
    %dma_wait3A_376 = arith.constant 0 : i32
    %dma_wait3A_377 = tpu.memref_slice %arg6[%dma_wait3A_374, %dma_wait3A_375, %dma_wait3A_376] : memref<3x1024x32xf32, #tpu.memory_space<vmem>> -> memref<1x1024x32xf32, #tpu.memory_space<vmem>>
    %dma_wait3A_378 = tpu.memref_squeeze %dma_wait3A_377 : memref<1x1024x32xf32, #tpu.memory_space<vmem>> -> memref<1024x32xf32, #tpu.memory_space<vmem>>
    %dma_wait3A_379 = arith.constant 0 : i32
    %dma_wait3A_380 = tpu.memref_slice %arg4[%add3A_305, %dma_wait3A_379] : memref<327680x32xf32, #tpu.memory_space<hbm>> -> memref<1024x32xf32, #tpu.memory_space<hbm>>
    %dma_wait3A_381 = arith.constant 0 : i32
    %dma_wait3A_382 = tpu.memref_slice %arg4[%add3A_305, %dma_wait3A_381] : memref<327680x32xf32, #tpu.memory_space<hbm>> -> memref<1024x32xf32, #tpu.memory_space<hbm>>
    %dma_wait3A_383 = arith.constant 0 : i32
    %dma_wait3A_384 = arith.constant 0 : i32
    %dma_wait3A_385 = tpu.memref_slice %arg6[%dma_wait3A_374, %dma_wait3A_383, %dma_wait3A_384] : memref<3x1024x32xf32, #tpu.memory_space<vmem>> -> memref<1x1024x32xf32, #tpu.memory_space<vmem>>
    %dma_wait3A_386 = tpu.memref_squeeze %dma_wait3A_385 : memref<1x1024x32xf32, #tpu.memory_space<vmem>> -> memref<1024x32xf32, #tpu.memory_space<vmem>>
    tpu.wait_dma2 semaphore(%arg12 : memref<!tpu.dma_semaphore, #tpu.memory_space<semaphore_mem>>) src(%dma_wait3A_386 : memref<1024x32xf32, #tpu.memory_space<vmem>>) dst(%dma_wait3A_382 : memref<1024x32xf32, #tpu.memory_space<hbm>>)
    %add3A_387 = arith.constant 8192 : i32
    %add3A_388 = arith.addi %mul3A_2, %add3A_387 : i32
    %run_scoped3A_389 = arith.constant 2 : i32
    "tpu.region"() ({
      %run_scoped3A_550 = tpu.sem_alloc : memref<!tpu.dma_semaphore, #tpu.memory_space<semaphore_mem>>
      %dma_start3A_551 = arith.constant 0 : i32
      %dma_start3A_552 = tpu.memref_slice %arg5[%run_scoped3A_389, %dma_start3A_551] : memref<3x1024xi32, #tpu.memory_space<vmem>> -> memref<1x1024xi32, #tpu.memory_space<vmem>>
      %dma_start3A_553 = tpu.memref_squeeze %dma_start3A_552 : memref<1x1024xi32, #tpu.memory_space<vmem>> -> memref<1024xi32, #tpu.memory_space<vmem>>
      %dma_start3A_554 = tpu.memref_slice %arg2[%add3A_388] : memref<327680xi32, #tpu.memory_space<hbm>> -> memref<1024xi32, #tpu.memory_space<hbm>>
      %dma_start3A_555 = arith.constant 0 : i32
      %dma_start3A_556 = tpu.memref_slice %arg5[%run_scoped3A_389, %dma_start3A_555] : memref<3x1024xi32, #tpu.memory_space<vmem>> -> memref<1x1024xi32, #tpu.memory_space<vmem>>
      %dma_start3A_557 = tpu.memref_squeeze %dma_start3A_556 : memref<1x1024xi32, #tpu.memory_space<vmem>> -> memref<1024xi32, #tpu.memory_space<vmem>>
      %dma_start3A_558 = tpu.memref_slice %arg2[%add3A_388] : memref<327680xi32, #tpu.memory_space<hbm>> -> memref<1024xi32, #tpu.memory_space<hbm>>
      tpu.enqueue_dma source(%dma_start3A_558 : memref<1024xi32, #tpu.memory_space<hbm>>) target(%dma_start3A_557 : memref<1024xi32, #tpu.memory_space<vmem>>) target_semaphore(%run_scoped3A_550 : memref<!tpu.dma_semaphore, #tpu.memory_space<semaphore_mem>>)
      %dma_wait3A_559 = arith.constant 0 : i32
      %dma_wait3A_560 = tpu.memref_slice %arg5[%run_scoped3A_389, %dma_wait3A_559] : memref<3x1024xi32, #tpu.memory_space<vmem>> -> memref<1x1024xi32, #tpu.memory_space<vmem>>
      %dma_wait3A_561 = tpu.memref_squeeze %dma_wait3A_560 : memref<1x1024xi32, #tpu.memory_space<vmem>> -> memref<1024xi32, #tpu.memory_space<vmem>>
      %dma_wait3A_562 = tpu.memref_slice %arg2[%add3A_388] : memref<327680xi32, #tpu.memory_space<hbm>> -> memref<1024xi32, #tpu.memory_space<hbm>>
      %dma_wait3A_563 = arith.constant 0 : i32
      %dma_wait3A_564 = tpu.memref_slice %arg5[%run_scoped3A_389, %dma_wait3A_563] : memref<3x1024xi32, #tpu.memory_space<vmem>> -> memref<1x1024xi32, #tpu.memory_space<vmem>>
      %dma_wait3A_565 = tpu.memref_squeeze %dma_wait3A_564 : memref<1x1024xi32, #tpu.memory_space<vmem>> -> memref<1024xi32, #tpu.memory_space<vmem>>
      %dma_wait3A_566 = tpu.memref_slice %arg2[%add3A_388] : memref<327680xi32, #tpu.memory_space<hbm>> -> memref<1024xi32, #tpu.memory_space<hbm>>
      tpu.wait_dma2 semaphore(%run_scoped3A_550 : memref<!tpu.dma_semaphore, #tpu.memory_space<semaphore_mem>>) src(%dma_wait3A_566 : memref<1024xi32, #tpu.memory_space<hbm>>) dst(%dma_wait3A_565 : memref<1024xi32, #tpu.memory_space<vmem>>)
      tpu.yield
    }) : () -> ()
    %dma_start3A_390 = arith.constant 2 : i32
    %dma_start3A_391 = arith.constant 2 : i32
    %dma_start3A_392 = arith.constant 0 : i32
    %dma_start3A_393 = arith.constant 0 : i32
    %dma_start3A_394 = tpu.memref_slice %arg6[%dma_start3A_391, %dma_start3A_392, %dma_start3A_393] : memref<3x1024x32xf32, #tpu.memory_space<vmem>> -> memref<1x1024x32xf32, #tpu.memory_space<vmem>>
    %dma_start3A_395 = tpu.memref_squeeze %dma_start3A_394 : memref<1x1024x32xf32, #tpu.memory_space<vmem>> -> memref<1024x32xf32, #tpu.memory_space<vmem>>
    %dma_start3A_396 = arith.constant 0 : i32
    %dma_start3A_397 = tpu.memref_slice %arg5[%dma_start3A_390, %dma_start3A_396] : memref<3x1024xi32, #tpu.memory_space<vmem>> -> memref<1x1024xi32, #tpu.memory_space<vmem>>
    %dma_start3A_398 = tpu.memref_squeeze %dma_start3A_397 : memref<1x1024xi32, #tpu.memory_space<vmem>> -> memref<1024xi32, #tpu.memory_space<vmem>>
    %dma_start3A_399 = arith.constant 0 : i32
    %dma_start3A_400 = arith.constant 0 : i32
    %dma_start3A_401 = tpu.memref_slice %arg3[%dma_start3A_399, %dma_start3A_400] : memref<1015808x32xf32, #tpu.memory_space<hbm>> -> memref<1015808x32xf32, #tpu.memory_space<hbm>>
    tpu.enqueue_indirect_dma source(%dma_start3A_401 : memref<1015808x32xf32, #tpu.memory_space<hbm>>) target(%dma_start3A_395 : memref<1024x32xf32, #tpu.memory_space<vmem>>) offsets(%dma_start3A_398 : memref<1024xi32, #tpu.memory_space<vmem>>) semaphore(%arg9 : memref<!tpu.dma_semaphore, #tpu.memory_space<semaphore_mem>>)
    %dma_wait3A_402 = arith.constant 1 : i32
    %dma_wait3A_403 = arith.constant 1 : i32
    %dma_wait3A_404 = arith.constant 0 : i32
    %dma_wait3A_405 = arith.constant 0 : i32
    %dma_wait3A_406 = tpu.memref_slice %arg6[%dma_wait3A_403, %dma_wait3A_404, %dma_wait3A_405] : memref<3x1024x32xf32, #tpu.memory_space<vmem>> -> memref<1x1024x32xf32, #tpu.memory_space<vmem>>
    %dma_wait3A_407 = tpu.memref_squeeze %dma_wait3A_406 : memref<1x1024x32xf32, #tpu.memory_space<vmem>> -> memref<1024x32xf32, #tpu.memory_space<vmem>>
    %dma_wait3A_408 = arith.constant 0 : i32
    %dma_wait3A_409 = tpu.memref_slice %arg5[%dma_wait3A_402, %dma_wait3A_408] : memref<3x1024xi32, #tpu.memory_space<vmem>> -> memref<1x1024xi32, #tpu.memory_space<vmem>>
    %dma_wait3A_410 = tpu.memref_squeeze %dma_wait3A_409 : memref<1x1024xi32, #tpu.memory_space<vmem>> -> memref<1024xi32, #tpu.memory_space<vmem>>
    %dma_wait3A_411 = arith.constant 0 : i32
    %dma_wait3A_412 = arith.constant 0 : i32
    %dma_wait3A_413 = tpu.memref_slice %arg3[%dma_wait3A_411, %dma_wait3A_412] : memref<1015808x32xf32, #tpu.memory_space<hbm>> -> memref<1015808x32xf32, #tpu.memory_space<hbm>>
    tpu.wait_indirect_dma semaphore(%arg8 : memref<!tpu.dma_semaphore, #tpu.memory_space<semaphore_mem>>) src(%dma_wait3A_413 : memref<1015808x32xf32, #tpu.memory_space<hbm>>) dst(%dma_wait3A_407 : memref<1024x32xf32, #tpu.memory_space<vmem>>)
    %add3A_414 = arith.constant 7168 : i32
    %add3A_415 = arith.addi %mul3A_2, %add3A_414 : i32
    %dma_start3A_416 = arith.constant 1 : i32
    %dma_start3A_417 = arith.constant 0 : i32
    %dma_start3A_418 = arith.constant 0 : i32
    %dma_start3A_419 = tpu.memref_slice %arg6[%dma_start3A_416, %dma_start3A_417, %dma_start3A_418] : memref<3x1024x32xf32, #tpu.memory_space<vmem>> -> memref<1x1024x32xf32, #tpu.memory_space<vmem>>
    %dma_start3A_420 = tpu.memref_squeeze %dma_start3A_419 : memref<1x1024x32xf32, #tpu.memory_space<vmem>> -> memref<1024x32xf32, #tpu.memory_space<vmem>>
    %dma_start3A_421 = arith.constant 0 : i32
    %dma_start3A_422 = tpu.memref_slice %arg4[%add3A_415, %dma_start3A_421] : memref<327680x32xf32, #tpu.memory_space<hbm>> -> memref<1024x32xf32, #tpu.memory_space<hbm>>
    %dma_start3A_423 = arith.constant 0 : i32
    %dma_start3A_424 = tpu.memref_slice %arg4[%add3A_415, %dma_start3A_423] : memref<327680x32xf32, #tpu.memory_space<hbm>> -> memref<1024x32xf32, #tpu.memory_space<hbm>>
    %dma_start3A_425 = arith.constant 0 : i32
    %dma_start3A_426 = arith.constant 0 : i32
    %dma_start3A_427 = tpu.memref_slice %arg6[%dma_start3A_416, %dma_start3A_425, %dma_start3A_426] : memref<3x1024x32xf32, #tpu.memory_space<vmem>> -> memref<1x1024x32xf32, #tpu.memory_space<vmem>>
    %dma_start3A_428 = tpu.memref_squeeze %dma_start3A_427 : memref<1x1024x32xf32, #tpu.memory_space<vmem>> -> memref<1024x32xf32, #tpu.memory_space<vmem>>
    tpu.enqueue_dma source(%dma_start3A_428 : memref<1024x32xf32, #tpu.memory_space<vmem>>) target(%dma_start3A_424 : memref<1024x32xf32, #tpu.memory_space<hbm>>) target_semaphore(%arg11 : memref<!tpu.dma_semaphore, #tpu.memory_space<semaphore_mem>>)
    %dma_wait3A_429 = arith.constant 0 : i32
    %dma_wait3A_430 = arith.constant 0 : i32
    %dma_wait3A_431 = arith.constant 0 : i32
    %dma_wait3A_432 = tpu.memref_slice %arg6[%dma_wait3A_429, %dma_wait3A_430, %dma_wait3A_431] : memref<3x1024x32xf32, #tpu.memory_space<vmem>> -> memref<1x1024x32xf32, #tpu.memory_space<vmem>>
    %dma_wait3A_433 = tpu.memref_squeeze %dma_wait3A_432 : memref<1x1024x32xf32, #tpu.memory_space<vmem>> -> memref<1024x32xf32, #tpu.memory_space<vmem>>
    %dma_wait3A_434 = arith.constant 0 : i32
    %dma_wait3A_435 = tpu.memref_slice %arg4[%add3A_360, %dma_wait3A_434] : memref<327680x32xf32, #tpu.memory_space<hbm>> -> memref<1024x32xf32, #tpu.memory_space<hbm>>
    %dma_wait3A_436 = arith.constant 0 : i32
    %dma_wait3A_437 = tpu.memref_slice %arg4[%add3A_360, %dma_wait3A_436] : memref<327680x32xf32, #tpu.memory_space<hbm>> -> memref<1024x32xf32, #tpu.memory_space<hbm>>
    %dma_wait3A_438 = arith.constant 0 : i32
    %dma_wait3A_439 = arith.constant 0 : i32
    %dma_wait3A_440 = tpu.memref_slice %arg6[%dma_wait3A_429, %dma_wait3A_438, %dma_wait3A_439] : memref<3x1024x32xf32, #tpu.memory_space<vmem>> -> memref<1x1024x32xf32, #tpu.memory_space<vmem>>
    %dma_wait3A_441 = tpu.memref_squeeze %dma_wait3A_440 : memref<1x1024x32xf32, #tpu.memory_space<vmem>> -> memref<1024x32xf32, #tpu.memory_space<vmem>>
    tpu.wait_dma2 semaphore(%arg10 : memref<!tpu.dma_semaphore, #tpu.memory_space<semaphore_mem>>) src(%dma_wait3A_441 : memref<1024x32xf32, #tpu.memory_space<vmem>>) dst(%dma_wait3A_437 : memref<1024x32xf32, #tpu.memory_space<hbm>>)
    %add3A_442 = arith.constant 9216 : i32
    %add3A_443 = arith.addi %mul3A_2, %add3A_442 : i32
    %run_scoped3A_444 = arith.constant 0 : i32
    "tpu.region"() ({
      %run_scoped3A_550 = tpu.sem_alloc : memref<!tpu.dma_semaphore, #tpu.memory_space<semaphore_mem>>
      %dma_start3A_551 = arith.constant 0 : i32
      %dma_start3A_552 = tpu.memref_slice %arg5[%run_scoped3A_444, %dma_start3A_551] : memref<3x1024xi32, #tpu.memory_space<vmem>> -> memref<1x1024xi32, #tpu.memory_space<vmem>>
      %dma_start3A_553 = tpu.memref_squeeze %dma_start3A_552 : memref<1x1024xi32, #tpu.memory_space<vmem>> -> memref<1024xi32, #tpu.memory_space<vmem>>
      %dma_start3A_554 = tpu.memref_slice %arg2[%add3A_443] : memref<327680xi32, #tpu.memory_space<hbm>> -> memref<1024xi32, #tpu.memory_space<hbm>>
      %dma_start3A_555 = arith.constant 0 : i32
      %dma_start3A_556 = tpu.memref_slice %arg5[%run_scoped3A_444, %dma_start3A_555] : memref<3x1024xi32, #tpu.memory_space<vmem>> -> memref<1x1024xi32, #tpu.memory_space<vmem>>
      %dma_start3A_557 = tpu.memref_squeeze %dma_start3A_556 : memref<1x1024xi32, #tpu.memory_space<vmem>> -> memref<1024xi32, #tpu.memory_space<vmem>>
      %dma_start3A_558 = tpu.memref_slice %arg2[%add3A_443] : memref<327680xi32, #tpu.memory_space<hbm>> -> memref<1024xi32, #tpu.memory_space<hbm>>
      tpu.enqueue_dma source(%dma_start3A_558 : memref<1024xi32, #tpu.memory_space<hbm>>) target(%dma_start3A_557 : memref<1024xi32, #tpu.memory_space<vmem>>) target_semaphore(%run_scoped3A_550 : memref<!tpu.dma_semaphore, #tpu.memory_space<semaphore_mem>>)
      %dma_wait3A_559 = arith.constant 0 : i32
      %dma_wait3A_560 = tpu.memref_slice %arg5[%run_scoped3A_444, %dma_wait3A_559] : memref<3x1024xi32, #tpu.memory_space<vmem>> -> memref<1x1024xi32, #tpu.memory_space<vmem>>
      %dma_wait3A_561 = tpu.memref_squeeze %dma_wait3A_560 : memref<1x1024xi32, #tpu.memory_space<vmem>> -> memref<1024xi32, #tpu.memory_space<vmem>>
      %dma_wait3A_562 = tpu.memref_slice %arg2[%add3A_443] : memref<327680xi32, #tpu.memory_space<hbm>> -> memref<1024xi32, #tpu.memory_space<hbm>>
      %dma_wait3A_563 = arith.constant 0 : i32
      %dma_wait3A_564 = tpu.memref_slice %arg5[%run_scoped3A_444, %dma_wait3A_563] : memref<3x1024xi32, #tpu.memory_space<vmem>> -> memref<1x1024xi32, #tpu.memory_space<vmem>>
      %dma_wait3A_565 = tpu.memref_squeeze %dma_wait3A_564 : memref<1x1024xi32, #tpu.memory_space<vmem>> -> memref<1024xi32, #tpu.memory_space<vmem>>
      %dma_wait3A_566 = tpu.memref_slice %arg2[%add3A_443] : memref<327680xi32, #tpu.memory_space<hbm>> -> memref<1024xi32, #tpu.memory_space<hbm>>
      tpu.wait_dma2 semaphore(%run_scoped3A_550 : memref<!tpu.dma_semaphore, #tpu.memory_space<semaphore_mem>>) src(%dma_wait3A_566 : memref<1024xi32, #tpu.memory_space<hbm>>) dst(%dma_wait3A_565 : memref<1024xi32, #tpu.memory_space<vmem>>)
      tpu.yield
    }) : () -> ()
    %dma_start3A_445 = arith.constant 0 : i32
    %dma_start3A_446 = arith.constant 0 : i32
    %dma_start3A_447 = arith.constant 0 : i32
    %dma_start3A_448 = arith.constant 0 : i32
    %dma_start3A_449 = tpu.memref_slice %arg6[%dma_start3A_446, %dma_start3A_447, %dma_start3A_448] : memref<3x1024x32xf32, #tpu.memory_space<vmem>> -> memref<1x1024x32xf32, #tpu.memory_space<vmem>>
    %dma_start3A_450 = tpu.memref_squeeze %dma_start3A_449 : memref<1x1024x32xf32, #tpu.memory_space<vmem>> -> memref<1024x32xf32, #tpu.memory_space<vmem>>
    %dma_start3A_451 = arith.constant 0 : i32
    %dma_start3A_452 = tpu.memref_slice %arg5[%dma_start3A_445, %dma_start3A_451] : memref<3x1024xi32, #tpu.memory_space<vmem>> -> memref<1x1024xi32, #tpu.memory_space<vmem>>
    %dma_start3A_453 = tpu.memref_squeeze %dma_start3A_452 : memref<1x1024xi32, #tpu.memory_space<vmem>> -> memref<1024xi32, #tpu.memory_space<vmem>>
    %dma_start3A_454 = arith.constant 0 : i32
    %dma_start3A_455 = arith.constant 0 : i32
    %dma_start3A_456 = tpu.memref_slice %arg3[%dma_start3A_454, %dma_start3A_455] : memref<1015808x32xf32, #tpu.memory_space<hbm>> -> memref<1015808x32xf32, #tpu.memory_space<hbm>>
    tpu.enqueue_indirect_dma source(%dma_start3A_456 : memref<1015808x32xf32, #tpu.memory_space<hbm>>) target(%dma_start3A_450 : memref<1024x32xf32, #tpu.memory_space<vmem>>) offsets(%dma_start3A_453 : memref<1024xi32, #tpu.memory_space<vmem>>) semaphore(%arg7 : memref<!tpu.dma_semaphore, #tpu.memory_space<semaphore_mem>>)
    %dma_wait3A_457 = arith.constant 2 : i32
    %dma_wait3A_458 = arith.constant 2 : i32
    %dma_wait3A_459 = arith.constant 0 : i32
    %dma_wait3A_460 = arith.constant 0 : i32
    %dma_wait3A_461 = tpu.memref_slice %arg6[%dma_wait3A_458, %dma_wait3A_459, %dma_wait3A_460] : memref<3x1024x32xf32, #tpu.memory_space<vmem>> -> memref<1x1024x32xf32, #tpu.memory_space<vmem>>
    %dma_wait3A_462 = tpu.memref_squeeze %dma_wait3A_461 : memref<1x1024x32xf32, #tpu.memory_space<vmem>> -> memref<1024x32xf32, #tpu.memory_space<vmem>>
    %dma_wait3A_463 = arith.constant 0 : i32
    %dma_wait3A_464 = tpu.memref_slice %arg5[%dma_wait3A_457, %dma_wait3A_463] : memref<3x1024xi32, #tpu.memory_space<vmem>> -> memref<1x1024xi32, #tpu.memory_space<vmem>>
    %dma_wait3A_465 = tpu.memref_squeeze %dma_wait3A_464 : memref<1x1024xi32, #tpu.memory_space<vmem>> -> memref<1024xi32, #tpu.memory_space<vmem>>
    %dma_wait3A_466 = arith.constant 0 : i32
    %dma_wait3A_467 = arith.constant 0 : i32
    %dma_wait3A_468 = tpu.memref_slice %arg3[%dma_wait3A_466, %dma_wait3A_467] : memref<1015808x32xf32, #tpu.memory_space<hbm>> -> memref<1015808x32xf32, #tpu.memory_space<hbm>>
    tpu.wait_indirect_dma semaphore(%arg9 : memref<!tpu.dma_semaphore, #tpu.memory_space<semaphore_mem>>) src(%dma_wait3A_468 : memref<1015808x32xf32, #tpu.memory_space<hbm>>) dst(%dma_wait3A_462 : memref<1024x32xf32, #tpu.memory_space<vmem>>)
    %add3A_469 = arith.constant 8192 : i32
    %add3A_470 = arith.addi %mul3A_2, %add3A_469 : i32
    %dma_start3A_471 = arith.constant 2 : i32
    %dma_start3A_472 = arith.constant 0 : i32
    %dma_start3A_473 = arith.constant 0 : i32
    %dma_start3A_474 = tpu.memref_slice %arg6[%dma_start3A_471, %dma_start3A_472, %dma_start3A_473] : memref<3x1024x32xf32, #tpu.memory_space<vmem>> -> memref<1x1024x32xf32, #tpu.memory_space<vmem>>
    %dma_start3A_475 = tpu.memref_squeeze %dma_start3A_474 : memref<1x1024x32xf32, #tpu.memory_space<vmem>> -> memref<1024x32xf32, #tpu.memory_space<vmem>>
    %dma_start3A_476 = arith.constant 0 : i32
    %dma_start3A_477 = tpu.memref_slice %arg4[%add3A_470, %dma_start3A_476] : memref<327680x32xf32, #tpu.memory_space<hbm>> -> memref<1024x32xf32, #tpu.memory_space<hbm>>
    %dma_start3A_478 = arith.constant 0 : i32
    %dma_start3A_479 = tpu.memref_slice %arg4[%add3A_470, %dma_start3A_478] : memref<327680x32xf32, #tpu.memory_space<hbm>> -> memref<1024x32xf32, #tpu.memory_space<hbm>>
    %dma_start3A_480 = arith.constant 0 : i32
    %dma_start3A_481 = arith.constant 0 : i32
    %dma_start3A_482 = tpu.memref_slice %arg6[%dma_start3A_471, %dma_start3A_480, %dma_start3A_481] : memref<3x1024x32xf32, #tpu.memory_space<vmem>> -> memref<1x1024x32xf32, #tpu.memory_space<vmem>>
    %dma_start3A_483 = tpu.memref_squeeze %dma_start3A_482 : memref<1x1024x32xf32, #tpu.memory_space<vmem>> -> memref<1024x32xf32, #tpu.memory_space<vmem>>
    tpu.enqueue_dma source(%dma_start3A_483 : memref<1024x32xf32, #tpu.memory_space<vmem>>) target(%dma_start3A_479 : memref<1024x32xf32, #tpu.memory_space<hbm>>) target_semaphore(%arg12 : memref<!tpu.dma_semaphore, #tpu.memory_space<semaphore_mem>>)
    %dma_wait3A_484 = arith.constant 0 : i32
    %dma_wait3A_485 = arith.constant 0 : i32
    %dma_wait3A_486 = arith.constant 0 : i32
    %dma_wait3A_487 = arith.constant 0 : i32
    %dma_wait3A_488 = tpu.memref_slice %arg6[%dma_wait3A_485, %dma_wait3A_486, %dma_wait3A_487] : memref<3x1024x32xf32, #tpu.memory_space<vmem>> -> memref<1x1024x32xf32, #tpu.memory_space<vmem>>
    %dma_wait3A_489 = tpu.memref_squeeze %dma_wait3A_488 : memref<1x1024x32xf32, #tpu.memory_space<vmem>> -> memref<1024x32xf32, #tpu.memory_space<vmem>>
    %dma_wait3A_490 = arith.constant 0 : i32
    %dma_wait3A_491 = tpu.memref_slice %arg5[%dma_wait3A_484, %dma_wait3A_490] : memref<3x1024xi32, #tpu.memory_space<vmem>> -> memref<1x1024xi32, #tpu.memory_space<vmem>>
    %dma_wait3A_492 = tpu.memref_squeeze %dma_wait3A_491 : memref<1x1024xi32, #tpu.memory_space<vmem>> -> memref<1024xi32, #tpu.memory_space<vmem>>
    %dma_wait3A_493 = arith.constant 0 : i32
    %dma_wait3A_494 = arith.constant 0 : i32
    %dma_wait3A_495 = tpu.memref_slice %arg3[%dma_wait3A_493, %dma_wait3A_494] : memref<1015808x32xf32, #tpu.memory_space<hbm>> -> memref<1015808x32xf32, #tpu.memory_space<hbm>>
    tpu.wait_indirect_dma semaphore(%arg7 : memref<!tpu.dma_semaphore, #tpu.memory_space<semaphore_mem>>) src(%dma_wait3A_495 : memref<1015808x32xf32, #tpu.memory_space<hbm>>) dst(%dma_wait3A_489 : memref<1024x32xf32, #tpu.memory_space<vmem>>)
    %add3A_496 = arith.constant 9216 : i32
    %add3A_497 = arith.addi %mul3A_2, %add3A_496 : i32
    %dma_start3A_498 = arith.constant 0 : i32
    %dma_start3A_499 = arith.constant 0 : i32
    %dma_start3A_500 = arith.constant 0 : i32
    %dma_start3A_501 = tpu.memref_slice %arg6[%dma_start3A_498, %dma_start3A_499, %dma_start3A_500] : memref<3x1024x32xf32, #tpu.memory_space<vmem>> -> memref<1x1024x32xf32, #tpu.memory_space<vmem>>
    %dma_start3A_502 = tpu.memref_squeeze %dma_start3A_501 : memref<1x1024x32xf32, #tpu.memory_space<vmem>> -> memref<1024x32xf32, #tpu.memory_space<vmem>>
    %dma_start3A_503 = arith.constant 0 : i32
    %dma_start3A_504 = tpu.memref_slice %arg4[%add3A_497, %dma_start3A_503] : memref<327680x32xf32, #tpu.memory_space<hbm>> -> memref<1024x32xf32, #tpu.memory_space<hbm>>
    %dma_start3A_505 = arith.constant 0 : i32
    %dma_start3A_506 = tpu.memref_slice %arg4[%add3A_497, %dma_start3A_505] : memref<327680x32xf32, #tpu.memory_space<hbm>> -> memref<1024x32xf32, #tpu.memory_space<hbm>>
    %dma_start3A_507 = arith.constant 0 : i32
    %dma_start3A_508 = arith.constant 0 : i32
    %dma_start3A_509 = tpu.memref_slice %arg6[%dma_start3A_498, %dma_start3A_507, %dma_start3A_508] : memref<3x1024x32xf32, #tpu.memory_space<vmem>> -> memref<1x1024x32xf32, #tpu.memory_space<vmem>>
    %dma_start3A_510 = tpu.memref_squeeze %dma_start3A_509 : memref<1x1024x32xf32, #tpu.memory_space<vmem>> -> memref<1024x32xf32, #tpu.memory_space<vmem>>
    tpu.enqueue_dma source(%dma_start3A_510 : memref<1024x32xf32, #tpu.memory_space<vmem>>) target(%dma_start3A_506 : memref<1024x32xf32, #tpu.memory_space<hbm>>) target_semaphore(%arg10 : memref<!tpu.dma_semaphore, #tpu.memory_space<semaphore_mem>>)
    %dma_wait3A_511 = arith.constant 1 : i32
    %dma_wait3A_512 = arith.constant 0 : i32
    %dma_wait3A_513 = arith.constant 0 : i32
    %dma_wait3A_514 = tpu.memref_slice %arg6[%dma_wait3A_511, %dma_wait3A_512, %dma_wait3A_513] : memref<3x1024x32xf32, #tpu.memory_space<vmem>> -> memref<1x1024x32xf32, #tpu.memory_space<vmem>>
    %dma_wait3A_515 = tpu.memref_squeeze %dma_wait3A_514 : memref<1x1024x32xf32, #tpu.memory_space<vmem>> -> memref<1024x32xf32, #tpu.memory_space<vmem>>
    %dma_wait3A_516 = arith.constant 0 : i32
    %dma_wait3A_517 = tpu.memref_slice %arg4[%add3A_415, %dma_wait3A_516] : memref<327680x32xf32, #tpu.memory_space<hbm>> -> memref<1024x32xf32, #tpu.memory_space<hbm>>
    %dma_wait3A_518 = arith.constant 0 : i32
    %dma_wait3A_519 = tpu.memref_slice %arg4[%add3A_415, %dma_wait3A_518] : memref<327680x32xf32, #tpu.memory_space<hbm>> -> memref<1024x32xf32, #tpu.memory_space<hbm>>
    %dma_wait3A_520 = arith.constant 0 : i32
    %dma_wait3A_521 = arith.constant 0 : i32
    %dma_wait3A_522 = tpu.memref_slice %arg6[%dma_wait3A_511, %dma_wait3A_520, %dma_wait3A_521] : memref<3x1024x32xf32, #tpu.memory_space<vmem>> -> memref<1x1024x32xf32, #tpu.memory_space<vmem>>
    %dma_wait3A_523 = tpu.memref_squeeze %dma_wait3A_522 : memref<1x1024x32xf32, #tpu.memory_space<vmem>> -> memref<1024x32xf32, #tpu.memory_space<vmem>>
    tpu.wait_dma2 semaphore(%arg11 : memref<!tpu.dma_semaphore, #tpu.memory_space<semaphore_mem>>) src(%dma_wait3A_523 : memref<1024x32xf32, #tpu.memory_space<vmem>>) dst(%dma_wait3A_519 : memref<1024x32xf32, #tpu.memory_space<hbm>>)
    %dma_wait3A_524 = arith.constant 2 : i32
    %dma_wait3A_525 = arith.constant 0 : i32
    %dma_wait3A_526 = arith.constant 0 : i32
    %dma_wait3A_527 = tpu.memref_slice %arg6[%dma_wait3A_524, %dma_wait3A_525, %dma_wait3A_526] : memref<3x1024x32xf32, #tpu.memory_space<vmem>> -> memref<1x1024x32xf32, #tpu.memory_space<vmem>>
    %dma_wait3A_528 = tpu.memref_squeeze %dma_wait3A_527 : memref<1x1024x32xf32, #tpu.memory_space<vmem>> -> memref<1024x32xf32, #tpu.memory_space<vmem>>
    %dma_wait3A_529 = arith.constant 0 : i32
    %dma_wait3A_530 = tpu.memref_slice %arg4[%add3A_470, %dma_wait3A_529] : memref<327680x32xf32, #tpu.memory_space<hbm>> -> memref<1024x32xf32, #tpu.memory_space<hbm>>
    %dma_wait3A_531 = arith.constant 0 : i32
    %dma_wait3A_532 = tpu.memref_slice %arg4[%add3A_470, %dma_wait3A_531] : memref<327680x32xf32, #tpu.memory_space<hbm>> -> memref<1024x32xf32, #tpu.memory_space<hbm>>
    %dma_wait3A_533 = arith.constant 0 : i32
    %dma_wait3A_534 = arith.constant 0 : i32
    %dma_wait3A_535 = tpu.memref_slice %arg6[%dma_wait3A_524, %dma_wait3A_533, %dma_wait3A_534] : memref<3x1024x32xf32, #tpu.memory_space<vmem>> -> memref<1x1024x32xf32, #tpu.memory_space<vmem>>
    %dma_wait3A_536 = tpu.memref_squeeze %dma_wait3A_535 : memref<1x1024x32xf32, #tpu.memory_space<vmem>> -> memref<1024x32xf32, #tpu.memory_space<vmem>>
    tpu.wait_dma2 semaphore(%arg12 : memref<!tpu.dma_semaphore, #tpu.memory_space<semaphore_mem>>) src(%dma_wait3A_536 : memref<1024x32xf32, #tpu.memory_space<vmem>>) dst(%dma_wait3A_532 : memref<1024x32xf32, #tpu.memory_space<hbm>>)
    %dma_wait3A_537 = arith.constant 0 : i32
    %dma_wait3A_538 = arith.constant 0 : i32
    %dma_wait3A_539 = arith.constant 0 : i32
    %dma_wait3A_540 = tpu.memref_slice %arg6[%dma_wait3A_537, %dma_wait3A_538, %dma_wait3A_539] : memref<3x1024x32xf32, #tpu.memory_space<vmem>> -> memref<1x1024x32xf32, #tpu.memory_space<vmem>>
    %dma_wait3A_541 = tpu.memref_squeeze %dma_wait3A_540 : memref<1x1024x32xf32, #tpu.memory_space<vmem>> -> memref<1024x32xf32, #tpu.memory_space<vmem>>
    %dma_wait3A_542 = arith.constant 0 : i32
    %dma_wait3A_543 = tpu.memref_slice %arg4[%add3A_497, %dma_wait3A_542] : memref<327680x32xf32, #tpu.memory_space<hbm>> -> memref<1024x32xf32, #tpu.memory_space<hbm>>
    %dma_wait3A_544 = arith.constant 0 : i32
    %dma_wait3A_545 = tpu.memref_slice %arg4[%add3A_497, %dma_wait3A_544] : memref<327680x32xf32, #tpu.memory_space<hbm>> -> memref<1024x32xf32, #tpu.memory_space<hbm>>
    %dma_wait3A_546 = arith.constant 0 : i32
    %dma_wait3A_547 = arith.constant 0 : i32
    %dma_wait3A_548 = tpu.memref_slice %arg6[%dma_wait3A_537, %dma_wait3A_546, %dma_wait3A_547] : memref<3x1024x32xf32, #tpu.memory_space<vmem>> -> memref<1x1024x32xf32, #tpu.memory_space<vmem>>
    %dma_wait3A_549 = tpu.memref_squeeze %dma_wait3A_548 : memref<1x1024x32xf32, #tpu.memory_space<vmem>> -> memref<1024x32xf32, #tpu.memory_space<vmem>>
    tpu.wait_dma2 semaphore(%arg10 : memref<!tpu.dma_semaphore, #tpu.memory_space<semaphore_mem>>) src(%dma_wait3A_549 : memref<1024x32xf32, #tpu.memory_space<vmem>>) dst(%dma_wait3A_545 : memref<1024x32xf32, #tpu.memory_space<hbm>>)
    return
  }
}

module attributes {stable_mosaic.version = 14 : i64} {
  func.func @_tc_transpose_body(%arg0: i32, %arg1: memref<32x32768xf32, #tpu.memory_space<vmem>>, %arg2: memref<8192x128xf32, #tpu.memory_space<vmem>>) attributes {dimension_semantics = [#tpu.dimension_semantics<arbitrary>], iteration_bounds = array<i64: 31>, scalar_prefetch = 0 : i64, scratch_operands = 0 : i64, tpu.core_type = #tpu.core_type<tc>, window_params = [{transform_indices = @transform_0, window_bounds = array<i64: 32, 32768>}, {transform_indices = @transform_1, window_bounds = array<i64: 8192, 128>}]} {
    %get3A = arith.constant 0 : index
    %get3A_0 = arith.constant 0 : index
    %get3A_1 = vector.load %arg1[%get3A, %get3A_0] : memref<32x32768xf32, #tpu.memory_space<vmem>>, vector<32x32768xf32>
    %transpose3A = tpu.transpose %get3A_1, [1, 0] : vector<32x32768xf32> -> vector<32768x32xf32>
    %slice3A = vector.extract_strided_slice %transpose3A {offsets = [0, 0], sizes = [8192, 32], strides = [1, 1]} : vector<32768x32xf32> to vector<8192x32xf32>
    %swap3A = arith.constant 0 : index
    %swap3A_2 = arith.constant 0 : index
    %swap3A_3 = vector.load %arg2[%swap3A, %swap3A_2] : memref<8192x128xf32, #tpu.memory_space<vmem>>, vector<8192x32xf32>
    tpu.vector_store %arg2[%swap3A, %swap3A_2], %slice3A {strides = array<i32>} : memref<8192x128xf32, #tpu.memory_space<vmem>>, vector<8192x32xf32>,
    %slice3A_4 = vector.extract_strided_slice %transpose3A {offsets = [8192, 0], sizes = [8192, 32], strides = [1, 1]} : vector<32768x32xf32> to vector<8192x32xf32>
    %swap3A_5 = arith.constant 0 : index
    %swap3A_6 = arith.constant 32 : index
    %swap3A_7 = vector.load %arg2[%swap3A_5, %swap3A_6] : memref<8192x128xf32, #tpu.memory_space<vmem>>, vector<8192x32xf32>
    tpu.vector_store %arg2[%swap3A_5, %swap3A_6], %slice3A_4 {strides = array<i32>} : memref<8192x128xf32, #tpu.memory_space<vmem>>, vector<8192x32xf32>,
    %slice3A_8 = vector.extract_strided_slice %transpose3A {offsets = [16384, 0], sizes = [8192, 32], strides = [1, 1]} : vector<32768x32xf32> to vector<8192x32xf32>
    %swap3A_9 = arith.constant 0 : index
    %swap3A_10 = arith.constant 64 : index
    %swap3A_11 = vector.load %arg2[%swap3A_9, %swap3A_10] : memref<8192x128xf32, #tpu.memory_space<vmem>>, vector<8192x32xf32>
    tpu.vector_store %arg2[%swap3A_9, %swap3A_10], %slice3A_8 {strides = array<i32>} : memref<8192x128xf32, #tpu.memory_space<vmem>>, vector<8192x32xf32>,
    %slice3A_12 = vector.extract_strided_slice %transpose3A {offsets = [24576, 0], sizes = [8192, 32], strides = [1, 1]} : vector<32768x32xf32> to vector<8192x32xf32>
    %swap3A_13 = arith.constant 0 : index
    %swap3A_14 = arith.constant 96 : index
    %swap3A_15 = vector.load %arg2[%swap3A_13, %swap3A_14] : memref<8192x128xf32, #tpu.memory_space<vmem>>, vector<8192x32xf32>
    tpu.vector_store %arg2[%swap3A_13, %swap3A_14], %slice3A_12 {strides = array<i32>} : memref<8192x128xf32, #tpu.memory_space<vmem>>, vector<8192x32xf32>,
    return
  }
  func.func @transform_0(%arg0: i32) -> (i32, i32) {
    %c0_i32 = arith.constant 0 : i32
    %c0_i32_0 = arith.constant 0 : i32
    return %c0_i32, %arg0 : i32, i32
  }
  func.func @transform_1(%arg0: i32) -> (i32, i32) {
    %c0_i32 = arith.constant 0 : i32
    %c0_i32_0 = arith.constant 0 : i32
    return %arg0, %c0_i32 : i32, i32
  }
}

</mosaic_0001>

<sc_bundles>
// kernel: kernel.4.cloned.1.call-start
scs
__scs_entry_jumppad:
0x0: {  	(pc) =	sbr.rel $0x88, $3  }
0x1: {  	(tag) =	ssettag $0x0;
	lr =	simm.s32 $0x1  }
0x2: {  	[smem:$0x3F9F] =	sst lr;
	_ =	strace $0xD0000000  }
0x3: {  	_ = 	snop  }
0x4: {  	_ = 	snop  }
0x5: {  	_ = 	snop  }
0x6: {  	_ = 	snop  }
0x7: {  	_ = 	snop  }
__scs_overlays_trampoline_lowered:
0x8: {  	[smem:$0x3FAE] =	sst s0  }
0x9: {  	[smem:$0x3FAF] =	sst s1  }
0xa: {  	[smem:$0x3FB0] =	sst s2  }
0xb: {  	[smem:$0x3FB1] =	sst s3  }
0xc: {  	[smem:$0x3FB2] =	sst s4  }
0xd: {  	[smem:$0x3FB3] =	sst s5  }
0xe: {  	[smem:$0x3FB4] =	sst s6  }
0xf: {  	[smem:$0x3FB5] =	sst s7  }
0x10: {  	[smem:$0x3FB6] =	sst s8  }
0x11: {  	[smem:$0x3FB7] =	sst s9;
	s0 =	simm.s32 @!p0 $0x0  }
0x12: {  	s1 =	sld [smem:$0x3F9D];
	s0 =	simm.s32 @p0 $0x1  }
0x13: {  	[smem:$0x3FB8] =	sst s0;
	s0 =	simm.s32 @!p1 $0x0  }
0x14: {  	s2 =	sld [smem:$0x3F9C];
	s0 =	simm.s32 @p1 $0x1  }
0x15: {  	[smem:$0x3FB9] =	sst s0;
	s0 =	simm.s32 @!p2 $0x0  }
0x16: {  	s3 =	sld [smem:$0x3FDB];
	s0 =	simm.s32 @p2 $0x1  }
0x17: {  	s4 =	simm.s32 $0x1BF5;
	[smem:$0x3FBB] =	sst s0  }
0x18: {  	s0 =	sld [smem:$0x3F9E];
	_ =	swait.ge [sflag:s4], $0x0  }
0x19: {  	s7 =	sld [smem:$0x3F9F]  }
0x1a: {  	s8 =	sadd.s32 $0xFFFFE003, lr  }
0x1b: {  	s9 =	sadd.s32 $0xFFFFFEF7, lr;
	s5 =	simm.s32 $0xFFFFFFFF;
	p2 =	slt.u32 s8, $0xFFFFF086  }
0x1c: {  	p1 =	slt.u32 s9, $0xF7A;
	s5 =	simm.s32 @!p2 $0x0  }
0x1d: {  	s5 =	simm.s32 @p1 $0x1;
	p0 =	seq.s32 s7, s2  }
0x1e: {  	s7 =	smul.u32 @!p0 $0xF7A, s2;
	p2 =	seq.s32 @!p0 s5, $0x0  }
0x1f: {  	s9 =	smul.u32 $0xF7A, s1;
	s8 =	simm.s32 @!p0 $0x1BF5;
	p2 =	por !p2, p0  }
0x20: {  	[sflag:s8] =	ssyncset.s32 @!p0 $0xFFFFF086;
	s6 =	sadd.s32 @!p0 s3, s7;
	s7 =	simm.s32 @!p0 $0x108  }
0x21: {  	s3 =	sadd.s32 s3, s9;
	s6 =	sadd.s32 @!p0 $0x88, s6;
	s7 =	simm.s32 @p2 $0x1082  }
0x22: {  	[simem:s7], [sflag:s8] =	dma.local @!p0 [hbm:s6], $0xF7A  }
0x23: {  	s9 =	sor.u32 $0xD0000000, s2;
	s6 =	simm.s32 $0x108;
	_ =	swait.ge @!p0 [sflag:s8], $0x0  }
0x24: {  	s3 =	sadd.s32 $0x88, s3;
	s6 =	simm.s32 @!p1 $0x1082;
	[sflag:s4] =	ssyncset.s32 $0xFFFFF086  }
0x25: {  	[simem:s6], [sflag:s4] =	dma.local [hbm:s3], $0xF7A  }
0x26: {  	[smem:$0x3F9F] =	sst s1;
	(tag) =	ssettag s2;
	_ =	strace s9  }
0x27: {  	s1 =	sld [smem:$0x3FAF]  }
0x28: {  	s2 =	sld [smem:$0x3FB0]  }
0x29: {  	s4 =	sld [smem:$0x3FB2]  }
0x2a: {  	p0 =	seq.s32 s5, $0x0;
	s5 =	sld [smem:$0x3FB3]  }
0x2b: {  	s6 =	sld [smem:$0x3FB4]  }
0x2c: {  	s7 =	sld [smem:$0x3FB5]  }
0x2d: {  	s3 =	simm.s32 $0x108;
	s8 =	sld [smem:$0x3FB6]  }
0x2e: {  	s3 =	simm.s32 @!p0 $0x1082;
	s9 =	sld [smem:$0x3FB7]  }
0x2f: {  	lr =	sadd.s32 s0, s3;
	s0 =	sld [smem:$0x3FAE]  }
0x30: {  	s3 =	sld [smem:$0x3FB1]  }
0x31: {  	[smem:$0x3FBA] =	sst s10  }
0x32: {  	s10 =	sld [smem:$0x3FB8];
	_ =	sdelay $0x3  }
0x33: {  	p0 =	seq.s32 s10, $0x1;
	s10 =	sld [smem:$0x3FBA];
	_ =	sdelay $0x3  }
0x34: {  	[smem:$0x3FBA] =	sst s10  }
0x35: {  	s10 =	sld [smem:$0x3FB9];
	_ =	sdelay $0x3  }
0x36: {  	p1 =	seq.s32 s10, $0x1;
	s10 =	sld [smem:$0x3FBA];
	_ =	sdelay $0x3  }
0x37: {  	[smem:$0x3FBA] =	sst s10  }
0x38: {  	s10 =	sld [smem:$0x3FBB]  }
0x39: {  	_ = 	snop;
	(pc) =	sbr.ind lr, $3  }
0x3a: {  	_ = 	snop  }
0x3b: {  	_ = 	snop  }
0x3c: {  	p2 =	seq.s32 s10, $0x1;
	s10 =	sld [smem:$0x3FBA]  }
0x3d: {  	_ =	shalt  }
0x3e: {  	_ =	shalt  }
0x3f: {  	_ =	shalt  }
0x40: {  	_ =	shalt  }
0x41: {  	_ =	shalt  }
0x42: {  	_ =	shalt  }
0x43: {  	_ =	shalt  }
0x44: {  	_ =	shalt  }
0x45: {  	_ =	shalt  }
0x46: {  	_ =	shalt  }
0x47: {  	_ =	shalt  }
0x48: {  	_ =	shalt  }
0x49: {  	_ =	shalt  }
0x4a: {  	_ =	shalt  }
0x4b: {  	_ =	shalt  }
0x4c: {  	_ =	shalt  }
0x4d: {  	_ =	shalt  }
0x4e: {  	_ =	shalt  }
0x4f: {  	_ =	shalt  }
0x50: {  	_ =	shalt  }
0x51: {  	_ =	shalt  }
0x52: {  	_ =	shalt  }
0x53: {  	_ =	shalt  }
0x54: {  	_ =	shalt  }
0x55: {  	_ =	shalt  }
0x56: {  	_ =	shalt  }
0x57: {  	_ =	shalt  }
0x58: {  	_ =	shalt  }
0x59: {  	_ =	shalt  }
0x5a: {  	_ =	shalt  }
0x5b: {  	_ =	shalt  }
0x5c: {  	_ =	shalt  }
0x5d: {  	_ =	shalt  }
0x5e: {  	_ =	shalt  }
0x5f: {  	_ =	shalt  }
0x60: {  	_ =	shalt  }
0x61: {  	_ =	shalt  }
0x62: {  	_ =	shalt  }
0x63: {  	_ =	shalt  }
0x64: {  	_ =	shalt  }
0x65: {  	_ =	shalt  }
0x66: {  	_ =	shalt  }
0x67: {  	_ =	shalt  }
0x68: {  	_ =	shalt  }
0x69: {  	_ =	shalt  }
0x6a: {  	_ =	shalt  }
0x6b: {  	_ =	shalt  }
0x6c: {  	_ =	shalt  }
0x6d: {  	_ =	shalt  }
0x6e: {  	_ =	shalt  }
0x6f: {  	_ =	shalt  }
0x70: {  	_ =	shalt  }
0x71: {  	_ =	shalt  }
0x72: {  	_ =	shalt  }
0x73: {  	_ =	shalt  }
0x74: {  	_ =	shalt  }
0x75: {  	_ =	shalt  }
0x76: {  	_ =	shalt  }
0x77: {  	_ =	shalt  }
0x78: {  	_ =	shalt  }
0x79: {  	_ =	shalt  }
0x7a: {  	_ =	shalt  }
0x7b: {  	_ =	shalt  }
0x7c: {  	_ =	shalt  }
0x7d: {  	_ =	shalt  }
0x7e: {  	_ =	shalt  }
0x7f: {  	_ =	shalt  }
0x80: {  	_ =	shalt  }
0x81: {  	_ =	shalt  }
0x82: {  	_ =	shalt  }
0x83: {  	_ =	shalt  }
0x84: {  	_ =	shalt  }
0x85: {  	_ =	shalt  }
0x86: {  	_ =	shalt  }
0x87: {  	_ =	shalt  }
.Lfunc_end0:
.L_simem_size_0:
called_computation.1_lowered:
.L_overlay_start_0:
0x88: {  	s2 =	sld [smem:$0x3FD9]  }
0x89: {  	s3 =	sld [smem:$0x3FFE];
	_ =	sdelay $0x1  }
0x8a: {  	s1 =	srdreg.scid  }
0x8b: {  	s0 =	sand.u32 $0x1, s1  }
0x8c: {  	s17 =	sshll.u32 s0, $0xA;
	s2 =	sadd.s32 s3, s2  }
0x8d: {  	s2 =	sadd.s32 s2, s17  }
0x8e: {  	[smem:$0x3FC6] =	sst s2  }
0x8f: {  	_ = 	snop  }
0x90: {  	s2 =	sld [smem:$0x3FD0];
	(tm) =	ssettm $0x1  }
0x91: {  	s18 =	sld [smem:$0x3FFB];
	_ =	sdelay $0x3  }
0x92: {  	_ =	strace s18  }
0x93: {  	s3 =	sld [smem:$0x3FFC];
	_ =	sdelay $0x3  }
0x94: {  	_ =	strace s3  }
0x95: {  	s3 =	sld [smem:$0x3FFD];
	_ =	sdelay $0x3  }
0x96: {  	_ =	strace s3  }
0x97: {  	_ =	strace $0x8FFFFFFF  }
0x98: {  	s19 =	sld [smem:$0x3FDB];
	_ =	sdelay $0x1  }
0x99: {  	s4 =	simm.s32 $_scs_section_size  }
0x9a: {  	s5 =	simm.s32 $_size__tile_overlayer_lowered;
	s6 =	simm.s32 $_tile_overlayer_lowered  }
0x9b: {  	s22 =	simm.s32 $0x1BFF;
	s21 =	sshll.u32 s6, $0x1;
	s3 =	sadd.s32 s4, s19  }
0x9c: {  	s7 =	simm.s32 $0x0;
	s20 =	sshll.u32 s5, $0x1;
	s5 =	sadd.s32 s21, s3  }
0x9d: {  	[timem:s7], [sflag:s22] =	dma.local [hbm:s5], s20  }
0x9e: {  	_ =	swait.ge [sflag:s22], s20  }
0x9f: {  	s4 =	ssub.s32 $0x0, s20;
	[sflag:s22] =	ssyncset.done $0x0  }
0xa0: {  	[sflag:s22] =	ssyncadd.s32 s4;
	_ =	sdelay $0x1  }
0xa1: {  	s23 =	simm.s32 $0x1B8B  }
0xa2: {  	_ =	swait.ge [sflag:s23], $0x1  }
0xa3: {  	[sflag:s23] =	ssyncset.done $0x0  }
0xa4: {  	s25 =	simm.s32 $0x1B8E;
	s24 =	sld [smem:$0x3FFE];
	[sflag:s23] =	ssyncadd.s32 $0xFFFFFFFF  }
0xa5: {  	s26 =	simm.s32 $execute0_lowered;
	[smem:$0x3FD2] =	sst s25  }
0xa6: {  	s5 =	sshll.u32 s26, $0x1;
	_ =	strace $0x80000046;
	[dreg:$0x1] =	wrdreg $0xFFFFFFFF  }
0xa7: {  	s28 =	simm.s32 $_size_execute0_lowered;
	s3 =	sadd.s32 s3, s5;
	[dreg:$0x0] =	wrdreg $0x0  }
0xa8: {  	s5 =	sshll.u32 s28, $0x1;
	[dreg:$0x2] =	wrdreg s3  }
0xa9: {  	[dreg:$0x3] =	wrdreg s5  }
0xaa: {  	[dreg:$0x4] =	wrdreg $0xC0  }
0xab: {  	_ =	task [dreg:s7], $0x5FFFF  }
0xac: {  	[dreg:$0x1] =	wrdreg $0xFFFFFFFF  }
0xad: {  	[dreg:$0x0] =	wrdreg $0x60  }
0xae: {  	[dreg:$0x2] =	wrdreg s24  }
0xaf: {  	[dreg:$0x3] =	wrdreg s2  }
0xb0: {  	[dreg:$0x4] =	wrdreg $0x9  }
0xb1: {  	_ =	task.clear_ibuf [dreg:s7], $0x5FFFF;
	_ =	strace $0x90000046  }
0xb2: {  	s29 =	simm.s32 $0x9;
	_ =	strace $0x80000048  }
0xb3: {  	_ =	swait.ge [sflag:s29], $0x1  }
0xb4: {  	[sflag:s29] =	ssyncadd.s32 $0xFFFFFFFF  }
0xb5: {  	_ =	strace $0x90000048  }
0xb6: {  	_ =	sfence  }
0xb7: {  	s30 =	sld [smem:$0x0];
	_ =	sdelay $0x2  }
0xb8: {  	s31 =	sshll.u32 s1, $0xD;
	s1 =	sshrl.u32 s1, $0x2  }
0xb9: {  	s3 =	sand.u32 $0x4000, s31;
	s1 =	sadd.s32 s1, s30  }
0xba: {  	s0 =	sor.u32 s3, s0;
	s1 =	sshll.u32 s1, $0x11  }
0xbb: {  	s0 =	sor.u32 s1, s0  }
0xbc: {  	s0 =	sadd.s32 $0x8F2B, s0  }
0xbd: {  	[sflag:s0] =	ssyncadd.remote.s32 $0x1  }
0xbe: {  	_ =	sfence.sel $0xFFFF  }
0xbf: {  	[dreg:$0x0] =	wrdreg $0xFFFFFFFF;
	(pc) =	sbr.abs _section_cstart, $3  }
0xc0: {  	[dreg:$0x1] =	wrdreg $0xFFFFFFFF  }
0xc1: {  	_ =	task.clear_ibuf [dreg:s7], $0x2FFFF;
	_ =	strace $0x9FFFFFFF  }
0xc2: {  	(tm) =	ssettm $0x7FFFFFFF  }
0xc3: {  	_ =	shalt  }
tec
execute0_lowered:
.L_overlay_start_1:
0x0: {  	(tag) =	ssettag $0x1  }
0x1: {  	s1 =	srdreg.scid;
	s0 =	stileid.u32  }
0x2: {  	s1 =	sand.u32 $0x1, s1;
	s3 =	sshll.u32 s0, $0x1  }
0x3: {  	s4 =	rddreg [dreg:$0x0];
	s2 =	simm.s32 $0x0;
	s3 =	sor.u32 s1, s3  }
0x4: {  	[smem:$0x7FF] =	sst s2;
	s30 =	smul.u32 $0x2800, s3  }
0x5: {  	[dreg:$0x9] =	wrdreg s1;
	s3 =	smul.u32 $0xA000, s3  }
0x6: {  	s31 =	rddreg [dreg:$0x1];
	s29 =	sadd.s32 $0x800, s4;
	_ =	strace $0x80000047  }
0x7: {  	s5 =	sshrl.u32 s30, $0x3;
	s6 =	sor.u32 $0x400, s30;
	s3 =	sadd.s32 s31, s3  }
0x8: {  	s5 =	sadd.s32 s29, s5;
	s7 =	sshrl.u32 s6, $0x3;
	[dreg:$0x5] =	wrdreg s3  }
0x9: {  	s15 =	sadd.s32 $0x800, s30;
	[dreg:$0x3] =	wrdreg s5;
	s19 =	sadd.s32 s29, s7  }
0xa: {  	s20 =	sshrl.u32 s15, $0x3;
	[dreg:$0x4] =	wrdreg s19  }
0xb: {  	s21 =	sshll.u32 s6, $0x2;
	s3 =	sadd.s32 s29, s20;
	s22 =	rddreg [dreg:$0x3]  }
0xc: {  	s23 =	sadd.s32 s31, s21;
	[dreg:$0x6] =	wrdreg s3  }
0xd: {  	[dreg:$0x7] =	wrdreg s23;
	s3 =	simm.s32 $0x7  }
0xe: {  	[tilespmem:s2], [sflag:$0x7] =	stream.linear.gather [hbm4b:s22+s2], $0x400, $0x38;
	[tilespmem:$0x18C00] =	vst v63  }
0xf: {  	_ =	swait.ge [sflag:s3], $0x400  }
0x10: {  	s4 =	sadd.s32 $0xA800, s4;
	[sflag:s3] =	ssyncset.done $0x0  }
0x11: {  	s6 =	simm.s32 $0xC00;
	s5 =	simm.s32 $0x400;
	[sflag:s3] =	ssyncadd.s32 $0xFFFFFC00  }
0x12: {  	[tilespmem:s6], [sflag:$0x1] =	stream.indirect.gather [hbm4b:s4+s5], $0x20, s2, s5, $0xb8;
	[tilespmem:$0x18C00] =	vst v63  }
0x13: {  	s24 =	rddreg [dreg:$0x4]  }
0x14: {  	[tilespmem:s5], [sflag:$0x7] =	stream.linear.gather [hbm4b:s24+s2], $0x400, $0x38;
	[tilespmem:$0x18C00] =	vst v63  }
0x15: {  	_ =	swait.ge [sflag:s3], $0x400  }
0x16: {  	[sflag:s3] =	ssyncset.done $0x0  }
0x17: {  	s8 =	simm.s32 $0x1;
	s7 =	simm.s32 $0x8C00;
	[sflag:s3] =	ssyncadd.s32 $0xFFFFFC00  }
0x18: {  	[tilespmem:s7], [sflag:$0x2] =	stream.indirect.gather [hbm4b:s4+s5], $0x20, s5, s5, $0xb8;
	[tilespmem:$0x18C00] =	vst v63  }
0x19: {  	_ =	swait.ge [sflag:s8], $0x8000  }
0x1a: {  	[sflag:s8] =	ssyncset.done $0x0  }
0x1b: {  	s9 =	rddreg [dreg:$0x5];
	[sflag:s8] =	ssyncadd.s32 $0xFFFF8000  }
0x1c: {  	[hbm4b:s9+s2] =	stream.linear.scatter [tilespmem:s6], [sflag:$0x4], $0x8000, $0x38;
	[tilespmem:$0x18C00] =	vst v63  }
0x1d: {  	s10 =	rddreg [dreg:$0x6];
	s9 =	simm.s32 $0x800  }
0x1e: {  	[tilespmem:s9], [sflag:$0x7] =	stream.linear.gather [hbm4b:s10+s2], $0x400, $0x38;
	[tilespmem:$0x18C00] =	vst v63  }
0x1f: {  	_ =	swait.ge [sflag:s3], $0x400  }
0x20: {  	[sflag:s3] =	ssyncset.done $0x0  }
0x21: {  	s11 =	simm.s32 $0x2;
	s10 =	simm.s32 $0x10C00;
	[sflag:s3] =	ssyncadd.s32 $0xFFFFFC00  }
0x22: {  	[tilespmem:s10], [sflag:$0x3] =	stream.indirect.gather [hbm4b:s4+s5], $0x20, s9, s5, $0xb8;
	[tilespmem:$0x18C00] =	vst v63  }
0x23: {  	_ =	swait.ge [sflag:s11], $0x8000  }
0x24: {  	s12 =	simm.s32 $0x4;
	[sflag:s11] =	ssyncset.done $0x0  }
0x25: {  	s18 =	sadd.s32 $0xC00, s30;
	s13 =	rddreg [dreg:$0x7];
	[sflag:s11] =	ssyncadd.s32 $0xFFFF8000  }
0x26: {  	[hbm4b:s13+s2] =	stream.linear.scatter [tilespmem:s7], [sflag:$0x5], $0x8000, $0x38;
	[tilespmem:$0x18C00] =	vst v63  }
0x27: {  	s25 =	sshrl.u32 s18, $0x3;
	_ =	swait.ge [sflag:s12], $0x8000  }
0x28: {  	s26 =	sadd.s32 s29, s25;
	[sflag:s12] =	ssyncset.done $0x0  }
0x29: {  	[dreg:$0x8] =	wrdreg s26;
	[sflag:s12] =	ssyncadd.s32 $0xFFFF8000  }
0x2a: {  	[tilespmem:s2], [sflag:$0x7] =	stream.linear.gather [hbm4b:s26+s2], $0x400, $0x38;
	[tilespmem:$0x18C00] =	vst v63  }
0x2b: {  	_ =	swait.ge [sflag:s3], $0x400  }
0x2c: {  	[sflag:s3] =	ssyncset.done $0x0  }
0x2d: {  	s14 =	simm.s32 $0x3;
	[sflag:s3] =	ssyncadd.s32 $0xFFFFFC00  }
0x2e: {  	[tilespmem:s6], [sflag:$0x1] =	stream.indirect.gather [hbm4b:s4+s5], $0x20, s2, s5, $0xb8;
	[tilespmem:$0x18C00] =	vst v63  }
0x2f: {  	_ =	swait.ge [sflag:s14], $0x8000  }
0x30: {  	s15 =	sshll.u32 s15, $0x2;
	[sflag:s14] =	ssyncset.done $0x0  }
0x31: {  	s16 =	simm.s32 $0x5;
	s15 =	sadd.s32 s31, s15;
	[sflag:s14] =	ssyncadd.s32 $0xFFFF8000  }
0x32: {  	[hbm4b:s15+s2] =	stream.linear.scatter [tilespmem:s10], [sflag:$0x6], $0x8000, $0x38;
	[tilespmem:$0x18C00] =	vst v63  }
0x33: {  	s21 =	sadd.s32 $0x1000, s30;
	_ =	swait.ge [sflag:s16], $0x8000  }
0x34: {  	s17 =	sshrl.u32 s21, $0x3;
	[sflag:s16] =	ssyncset.done $0x0  }
0x35: {  	s17 =	sadd.s32 s29, s17;
	[sflag:s16] =	ssyncadd.s32 $0xFFFF8000  }
0x36: {  	[tilespmem:s5], [sflag:$0x7] =	stream.linear.gather [hbm4b:s17+s2], $0x400, $0x38;
	[tilespmem:$0x18C00] =	vst v63  }
0x37: {  	_ =	swait.ge [sflag:s3], $0x400  }
0x38: {  	[sflag:s3] =	ssyncset.done $0x0  }
0x39: {  	[sflag:s3] =	ssyncadd.s32 $0xFFFFFC00  }
0x3a: {  	[tilespmem:s7], [sflag:$0x2] =	stream.indirect.gather [hbm4b:s4+s5], $0x20, s5, s5, $0xb8;
	[tilespmem:$0x18C00] =	vst v63  }
0x3b: {  	_ =	swait.ge [sflag:s8], $0x8000  }
0x3c: {  	s18 =	sshll.u32 s18, $0x2;
	[sflag:s8] =	ssyncset.done $0x0  }
0x3d: {  	s18 =	sadd.s32 s31, s18;
	s19 =	simm.s32 $0x6;
	[sflag:s8] =	ssyncadd.s32 $0xFFFF8000  }
0x3e: {  	[hbm4b:s18+s2] =	stream.linear.scatter [tilespmem:s6], [sflag:$0x4], $0x8000, $0x38;
	[tilespmem:$0x18C00] =	vst v63  }
0x3f: {  	s23 =	sadd.s32 $0x1400, s30;
	_ =	swait.ge [sflag:s19], $0x8000  }
0x40: {  	s20 =	sshrl.u32 s23, $0x3;
	[sflag:s19] =	ssyncset.done $0x0  }
0x41: {  	s20 =	sadd.s32 s29, s20;
	[sflag:s19] =	ssyncadd.s32 $0xFFFF8000  }
0x42: {  	[tilespmem:s9], [sflag:$0x7] =	stream.linear.gather [hbm4b:s20+s2], $0x400, $0x38;
	[tilespmem:$0x18C00] =	vst v63  }
0x43: {  	_ =	swait.ge [sflag:s3], $0x400  }
0x44: {  	[sflag:s3] =	ssyncset.done $0x0  }
0x45: {  	[sflag:s3] =	ssyncadd.s32 $0xFFFFFC00  }
0x46: {  	[tilespmem:s10], [sflag:$0x3] =	stream.indirect.gather [hbm4b:s4+s5], $0x20, s9, s5, $0xb8;
	[tilespmem:$0x18C00] =	vst v63  }
0x47: {  	_ =	swait.ge [sflag:s11], $0x8000  }
0x48: {  	s21 =	sshll.u32 s21, $0x2;
	[sflag:s11] =	ssyncset.done $0x0  }
0x49: {  	s21 =	sadd.s32 s31, s21;
	[sflag:s11] =	ssyncadd.s32 $0xFFFF8000  }
0x4a: {  	[hbm4b:s21+s2] =	stream.linear.scatter [tilespmem:s7], [sflag:$0x5], $0x8000, $0x38;
	[tilespmem:$0x18C00] =	vst v63  }
0x4b: {  	s25 =	sadd.s32 $0x1800, s30;
	_ =	swait.ge [sflag:s12], $0x8000  }
0x4c: {  	s22 =	sshrl.u32 s25, $0x3;
	[sflag:s12] =	ssyncset.done $0x0  }
0x4d: {  	s22 =	sadd.s32 s29, s22;
	[sflag:s12] =	ssyncadd.s32 $0xFFFF8000  }
0x4e: {  	[tilespmem:s2], [sflag:$0x7] =	stream.linear.gather [hbm4b:s22+s2], $0x400, $0x38;
	[tilespmem:$0x18C00] =	vst v63  }
0x4f: {  	_ =	swait.ge [sflag:s3], $0x400  }
0x50: {  	[sflag:s3] =	ssyncset.done $0x0  }
0x51: {  	[sflag:s3] =	ssyncadd.s32 $0xFFFFFC00  }
0x52: {  	[tilespmem:s6], [sflag:$0x1] =	stream.indirect.gather [hbm4b:s4+s5], $0x20, s2, s5, $0xb8;
	[tilespmem:$0x18C00] =	vst v63  }
0x53: {  	_ =	swait.ge [sflag:s14], $0x8000  }
0x54: {  	s23 =	sshll.u32 s23, $0x2;
	[sflag:s14] =	ssyncset.done $0x0  }
0x55: {  	s23 =	sadd.s32 s31, s23;
	[sflag:s14] =	ssyncadd.s32 $0xFFFF8000  }
0x56: {  	[hbm4b:s23+s2] =	stream.linear.scatter [tilespmem:s10], [sflag:$0x6], $0x8000, $0x38;
	[tilespmem:$0x18C00] =	vst v63  }
0x57: {  	s28 =	sadd.s32 $0x1C00, s30;
	_ =	swait.ge [sflag:s16], $0x8000  }
0x58: {  	s24 =	sshrl.u32 s28, $0x3;
	[sflag:s16] =	ssyncset.done $0x0  }
0x59: {  	s24 =	sadd.s32 s29, s24;
	[sflag:s16] =	ssyncadd.s32 $0xFFFF8000  }
0x5a: {  	[tilespmem:s5], [sflag:$0x7] =	stream.linear.gather [hbm4b:s24+s2], $0x400, $0x38;
	[tilespmem:$0x18C00] =	vst v63  }
0x5b: {  	_ =	swait.ge [sflag:s3], $0x400  }
0x5c: {  	[sflag:s3] =	ssyncset.done $0x0  }
0x5d: {  	[sflag:s3] =	ssyncadd.s32 $0xFFFFFC00  }
0x5e: {  	[tilespmem:s7], [sflag:$0x2] =	stream.indirect.gather [hbm4b:s4+s5], $0x20, s5, s5, $0xb8;
	[tilespmem:$0x18C00] =	vst v63  }
0x5f: {  	_ =	swait.ge [sflag:s8], $0x8000  }
0x60: {  	s25 =	sshll.u32 s25, $0x2;
	[sflag:s8] =	ssyncset.done $0x0  }
0x61: {  	s25 =	sadd.s32 s31, s25;
	[sflag:s8] =	ssyncadd.s32 $0xFFFF8000  }
0x62: {  	[hbm4b:s25+s2] =	stream.linear.scatter [tilespmem:s6], [sflag:$0x4], $0x8000, $0x38;
	[tilespmem:$0x18C00] =	vst v63  }
0x63: {  	s0 =	sadd.s32 $0x2000, s30;
	_ =	swait.ge [sflag:s19], $0x8000  }
0x64: {  	s26 =	sshrl.u32 s0, $0x3;
	[sflag:s19] =	ssyncset.done $0x0  }
0x65: {  	s26 =	sadd.s32 s29, s26;
	[sflag:s19] =	ssyncadd.s32 $0xFFFF8000  }
0x66: {  	[tilespmem:s9], [sflag:$0x7] =	stream.linear.gather [hbm4b:s26+s2], $0x400, $0x38;
	[tilespmem:$0x18C00] =	vst v63  }
0x67: {  	_ =	swait.ge [sflag:s3], $0x400  }
0x68: {  	[sflag:s3] =	ssyncset.done $0x0  }
0x69: {  	[sflag:s3] =	ssyncadd.s32 $0xFFFFFC00  }
0x6a: {  	[tilespmem:s10], [sflag:$0x3] =	stream.indirect.gather [hbm4b:s4+s5], $0x20, s9, s5, $0xb8;
	[tilespmem:$0x18C00] =	vst v63  }
0x6b: {  	_ =	swait.ge [sflag:s11], $0x8000  }
0x6c: {  	s28 =	sshll.u32 s28, $0x2;
	[sflag:s11] =	ssyncset.done $0x0  }
0x6d: {  	s28 =	sadd.s32 s31, s28;
	[sflag:s11] =	ssyncadd.s32 $0xFFFF8000  }
0x6e: {  	[hbm4b:s28+s2] =	stream.linear.scatter [tilespmem:s7], [sflag:$0x5], $0x8000, $0x38;
	[tilespmem:$0x18C00] =	vst v63  }
0x6f: {  	s13 =	sadd.s32 $0x2400, s30;
	_ =	swait.ge [sflag:s12], $0x8000  }
0x70: {  	s30 =	sshrl.u32 s13, $0x3;
	[sflag:s12] =	ssyncset.done $0x0  }
0x71: {  	s29 =	sadd.s32 s29, s30;
	[sflag:s12] =	ssyncadd.s32 $0xFFFF8000  }
0x72: {  	[tilespmem:s2], [sflag:$0x7] =	stream.linear.gather [hbm4b:s29+s2], $0x400, $0x38;
	[tilespmem:$0x18C00] =	vst v63  }
0x73: {  	_ =	swait.ge [sflag:s3], $0x400  }
0x74: {  	[sflag:s3] =	ssyncset.done $0x0  }
0x75: {  	[sflag:s3] =	ssyncadd.s32 $0xFFFFFC00  }
0x76: {  	[tilespmem:s6], [sflag:$0x1] =	stream.indirect.gather [hbm4b:s4+s5], $0x20, s2, s5, $0xb8;
	[tilespmem:$0x18C00] =	vst v63  }
0x77: {  	_ =	swait.ge [sflag:s14], $0x8000  }
0x78: {  	s1 =	sshll.u32 s0, $0x2;
	[sflag:s14] =	ssyncset.done $0x0  }
0x79: {  	s30 =	sadd.s32 s31, s1;
	[sflag:s14] =	ssyncadd.s32 $0xFFFF8000  }
0x7a: {  	[hbm4b:s30+s2] =	stream.linear.scatter [tilespmem:s10], [sflag:$0x6], $0x8000, $0x38;
	[tilespmem:$0x18C00] =	vst v63  }
0x7b: {  	_ =	swait.ge [sflag:s8], $0x8000  }
0x7c: {  	s0 =	sshll.u32 s13, $0x2;
	[sflag:s8] =	ssyncset.done $0x0  }
0x7d: {  	s31 =	sadd.s32 s31, s0;
	[sflag:s8] =	ssyncadd.s32 $0xFFFF8000  }
0x7e: {  	[hbm4b:s31+s2] =	stream.linear.scatter [tilespmem:s6], [sflag:$0x4], $0x8000, $0x38;
	[tilespmem:$0x18C00] =	vst v63  }
0x7f: {  	_ =	swait.ge [sflag:s16], $0x8000  }
0x80: {  	s1 =	rddreg [dreg:$0x9]  }
0x81: {  	s0 =	ssub.s32 $0x2, s1  }
0x82: {  	s13 =	sshrl.u32 s0, $0x1  }
0x83: {  	s0 =	ssub.s32 s0, s13  }
0x84: {  	s0 =	smax.u32 s0, $0x1  }
0x85: {  	[sflag:s16] =	ssyncset.done $0x0;
	p0 =	sne.s32 s0, $0x1  }
.Ltmp0:
0x86: {  	[sflag:s16] =	ssyncadd.s32 $0xFFFF8000;
	(pc) =	sbr.rel @!p0 .LBB2_2-.Ltmp0, $4  }
0x87: {  	_ =	swait.ge [sflag:s19], $0x8000  }
0x88: {  	[sflag:s19] =	ssyncset.done $0x0  }
0x89: {  	[sflag:s19] =	ssyncadd.s32 $0xFFFF8000  }
0x8a: {  	s1 =	sadd.s32 $0xFFFFFFFF, s0;
	_ =	swait.ge [sflag:s12], $0x8000  }
.LBB2_1:
0x8b: {  	[sflag:s12] =	ssyncset.done $0x0  }
0x8c: {  	s0 =	rddreg [dreg:$0x3];
	[sflag:s12] =	ssyncadd.s32 $0xFFFF8000  }
0x8d: {  	[tilespmem:s2], [sflag:$0x7] =	stream.linear.gather [hbm4b:s0+s2], $0x400, $0x38;
	[tilespmem:$0x18C00] =	vst v63  }
0x8e: {  	_ =	swait.ge [sflag:s3], $0x400  }
0x8f: {  	[sflag:s3] =	ssyncset.done $0x0  }
0x90: {  	[sflag:s3] =	ssyncadd.s32 $0xFFFFFC00  }
0x91: {  	[tilespmem:s6], [sflag:$0x1] =	stream.indirect.gather [hbm4b:s4+s5], $0x20, s2, s5, $0xb8;
	[tilespmem:$0x18C00] =	vst v63  }
0x92: {  	s13 =	rddreg [dreg:$0x4]  }
0x93: {  	[tilespmem:s5], [sflag:$0x7] =	stream.linear.gather [hbm4b:s13+s2], $0x400, $0x38;
	[tilespmem:$0x18C00] =	vst v63  }
0x94: {  	_ =	swait.ge [sflag:s3], $0x400  }
0x95: {  	[sflag:s3] =	ssyncset.done $0x0  }
0x96: {  	[sflag:s3] =	ssyncadd.s32 $0xFFFFFC00  }
0x97: {  	[tilespmem:s7], [sflag:$0x2] =	stream.indirect.gather [hbm4b:s4+s5], $0x20, s5, s5, $0xb8;
	[tilespmem:$0x18C00] =	vst v63  }
0x98: {  	_ =	swait.ge [sflag:s8], $0x8000  }
0x99: {  	[sflag:s8] =	ssyncset.done $0x0  }
0x9a: {  	s0 =	rddreg [dreg:$0x5];
	[sflag:s8] =	ssyncadd.s32 $0xFFFF8000  }
0x9b: {  	[hbm4b:s0+s2] =	stream.linear.scatter [tilespmem:s6], [sflag:$0x4], $0x8000, $0x38;
	[tilespmem:$0x18C00] =	vst v63  }
0x9c: {  	s13 =	rddreg [dreg:$0x6]  }
0x9d: {  	[tilespmem:s9], [sflag:$0x7] =	stream.linear.gather [hbm4b:s13+s2], $0x400, $0x38;
	[tilespmem:$0x18C00] =	vst v63  }
0x9e: {  	_ =	swait.ge [sflag:s3], $0x400  }
0x9f: {  	[sflag:s3] =	ssyncset.done $0x0  }
0xa0: {  	[sflag:s3] =	ssyncadd.s32 $0xFFFFFC00  }
0xa1: {  	[tilespmem:s10], [sflag:$0x3] =	stream.indirect.gather [hbm4b:s4+s5], $0x20, s9, s5, $0xb8;
	[tilespmem:$0x18C00] =	vst v63  }
0xa2: {  	_ =	swait.ge [sflag:s11], $0x8000  }
0xa3: {  	[sflag:s11] =	ssyncset.done $0x0  }
0xa4: {  	s13 =	rddreg [dreg:$0x7];
	[sflag:s11] =	ssyncadd.s32 $0xFFFF8000  }
0xa5: {  	[hbm4b:s13+s2] =	stream.linear.scatter [tilespmem:s7], [sflag:$0x5], $0x8000, $0x38;
	[tilespmem:$0x18C00] =	vst v63  }
0xa6: {  	_ =	swait.ge [sflag:s12], $0x8000  }
0xa7: {  	[sflag:s12] =	ssyncset.done $0x0  }
0xa8: {  	s13 =	rddreg [dreg:$0x8];
	[sflag:s12] =	ssyncadd.s32 $0xFFFF8000  }
0xa9: {  	[tilespmem:s2], [sflag:$0x7] =	stream.linear.gather [hbm4b:s13+s2], $0x400, $0x38;
	[tilespmem:$0x18C00] =	vst v63  }
0xaa: {  	_ =	swait.ge [sflag:s3], $0x400  }
0xab: {  	[sflag:s3] =	ssyncset.done $0x0  }
0xac: {  	[sflag:s3] =	ssyncadd.s32 $0xFFFFFC00  }
0xad: {  	[tilespmem:s6], [sflag:$0x1] =	stream.indirect.gather [hbm4b:s4+s5], $0x20, s2, s5, $0xb8;
	[tilespmem:$0x18C00] =	vst v63  }
0xae: {  	_ =	swait.ge [sflag:s14], $0x8000  }
0xaf: {  	[sflag:s14] =	ssyncset.done $0x0  }
0xb0: {  	[sflag:s14] =	ssyncadd.s32 $0xFFFF8000  }
0xb1: {  	[hbm4b:s15+s2] =	stream.linear.scatter [tilespmem:s10], [sflag:$0x6], $0x8000, $0x38;
	[tilespmem:$0x18C00] =	vst v63  }
0xb2: {  	_ =	swait.ge [sflag:s16], $0x8000  }
0xb3: {  	[sflag:s16] =	ssyncset.done $0x0  }
0xb4: {  	[sflag:s16] =	ssyncadd.s32 $0xFFFF8000  }
0xb5: {  	[tilespmem:s5], [sflag:$0x7] =	stream.linear.gather [hbm4b:s17+s2], $0x400, $0x38;
	[tilespmem:$0x18C00] =	vst v63  }
0xb6: {  	_ =	swait.ge [sflag:s3], $0x400  }
0xb7: {  	[sflag:s3] =	ssyncset.done $0x0  }
0xb8: {  	[sflag:s3] =	ssyncadd.s32 $0xFFFFFC00  }
0xb9: {  	[tilespmem:s7], [sflag:$0x2] =	stream.indirect.gather [hbm4b:s4+s5], $0x20, s5, s5, $0xb8;
	[tilespmem:$0x18C00] =	vst v63  }
0xba: {  	_ =	swait.ge [sflag:s8], $0x8000  }
0xbb: {  	[sflag:s8] =	ssyncset.done $0x0  }
0xbc: {  	[sflag:s8] =	ssyncadd.s32 $0xFFFF8000  }
0xbd: {  	[hbm4b:s18+s2] =	stream.linear.scatter [tilespmem:s6], [sflag:$0x4], $0x8000, $0x38;
	[tilespmem:$0x18C00] =	vst v63  }
0xbe: {  	_ =	swait.ge [sflag:s19], $0x8000  }
0xbf: {  	[sflag:s19] =	ssyncset.done $0x0  }
0xc0: {  	[sflag:s19] =	ssyncadd.s32 $0xFFFF8000  }
0xc1: {  	[tilespmem:s9], [sflag:$0x7] =	stream.linear.gather [hbm4b:s20+s2], $0x400, $0x38;
	[tilespmem:$0x18C00] =	vst v63  }
0xc2: {  	_ =	swait.ge [sflag:s3], $0x400  }
0xc3: {  	[sflag:s3] =	ssyncset.done $0x0  }
0xc4: {  	[sflag:s3] =	ssyncadd.s32 $0xFFFFFC00  }
0xc5: {  	[tilespmem:s10], [sflag:$0x3] =	stream.indirect.gather [hbm4b:s4+s5], $0x20, s9, s5, $0xb8;
	[tilespmem:$0x18C00] =	vst v63  }
0xc6: {  	_ =	swait.ge [sflag:s11], $0x8000  }
0xc7: {  	[sflag:s11] =	ssyncset.done $0x0  }
0xc8: {  	[sflag:s11] =	ssyncadd.s32 $0xFFFF8000  }
0xc9: {  	[hbm4b:s21+s2] =	stream.linear.scatter [tilespmem:s7], [sflag:$0x5], $0x8000, $0x38;
	[tilespmem:$0x18C00] =	vst v63  }
0xca: {  	_ =	swait.ge [sflag:s12], $0x8000  }
0xcb: {  	[sflag:s12] =	ssyncset.done $0x0  }
0xcc: {  	[sflag:s12] =	ssyncadd.s32 $0xFFFF8000  }
0xcd: {  	[tilespmem:s2], [sflag:$0x7] =	stream.linear.gather [hbm4b:s22+s2], $0x400, $0x38;
	[tilespmem:$0x18C00] =	vst v63  }
0xce: {  	_ =	swait.ge [sflag:s3], $0x400  }
0xcf: {  	[sflag:s3] =	ssyncset.done $0x0  }
0xd0: {  	[sflag:s3] =	ssyncadd.s32 $0xFFFFFC00  }
0xd1: {  	[tilespmem:s6], [sflag:$0x1] =	stream.indirect.gather [hbm4b:s4+s5], $0x20, s2, s5, $0xb8;
	[tilespmem:$0x18C00] =	vst v63  }
0xd2: {  	_ =	swait.ge [sflag:s14], $0x8000  }
0xd3: {  	[sflag:s14] =	ssyncset.done $0x0  }
0xd4: {  	[sflag:s14] =	ssyncadd.s32 $0xFFFF8000  }
0xd5: {  	[hbm4b:s23+s2] =	stream.linear.scatter [tilespmem:s10], [sflag:$0x6], $0x8000, $0x38;
	[tilespmem:$0x18C00] =	vst v63  }
0xd6: {  	_ =	swait.ge [sflag:s16], $0x8000  }
0xd7: {  	[sflag:s16] =	ssyncset.done $0x0  }
0xd8: {  	[sflag:s16] =	ssyncadd.s32 $0xFFFF8000  }
0xd9: {  	[tilespmem:s5], [sflag:$0x7] =	stream.linear.gather [hbm4b:s24+s2], $0x400, $0x38;
	[tilespmem:$0x18C00] =	vst v63  }
0xda: {  	_ =	swait.ge [sflag:s3], $0x400  }
0xdb: {  	[sflag:s3] =	ssyncset.done $0x0  }
0xdc: {  	[sflag:s3] =	ssyncadd.s32 $0xFFFFFC00  }
0xdd: {  	[tilespmem:s7], [sflag:$0x2] =	stream.indirect.gather [hbm4b:s4+s5], $0x20, s5, s5, $0xb8;
	[tilespmem:$0x18C00] =	vst v63  }
0xde: {  	_ =	swait.ge [sflag:s8], $0x8000  }
0xdf: {  	[sflag:s8] =	ssyncset.done $0x0  }
0xe0: {  	[sflag:s8] =	ssyncadd.s32 $0xFFFF8000  }
0xe1: {  	[hbm4b:s25+s2] =	stream.linear.scatter [tilespmem:s6], [sflag:$0x4], $0x8000, $0x38;
	[tilespmem:$0x18C00] =	vst v63  }
0xe2: {  	_ =	swait.ge [sflag:s19], $0x8000  }
0xe3: {  	[sflag:s19] =	ssyncset.done $0x0  }
0xe4: {  	[sflag:s19] =	ssyncadd.s32 $0xFFFF8000  }
0xe5: {  	[tilespmem:s9], [sflag:$0x7] =	stream.linear.gather [hbm4b:s26+s2], $0x400, $0x38;
	[tilespmem:$0x18C00] =	vst v63  }
0xe6: {  	_ =	swait.ge [sflag:s3], $0x400  }
0xe7: {  	[sflag:s3] =	ssyncset.done $0x0  }
0xe8: {  	[sflag:s3] =	ssyncadd.s32 $0xFFFFFC00  }
0xe9: {  	[tilespmem:s10], [sflag:$0x3] =	stream.indirect.gather [hbm4b:s4+s5], $0x20, s9, s5, $0xb8;
	[tilespmem:$0x18C00] =	vst v63  }
0xea: {  	_ =	swait.ge [sflag:s11], $0x8000  }
0xeb: {  	[sflag:s11] =	ssyncset.done $0x0  }
0xec: {  	[sflag:s11] =	ssyncadd.s32 $0xFFFF8000  }
0xed: {  	[hbm4b:s28+s2] =	stream.linear.scatter [tilespmem:s7], [sflag:$0x5], $0x8000, $0x38;
	[tilespmem:$0x18C00] =	vst v63  }
0xee: {  	_ =	swait.ge [sflag:s12], $0x8000  }
0xef: {  	[sflag:s12] =	ssyncset.done $0x0  }
0xf0: {  	[sflag:s12] =	ssyncadd.s32 $0xFFFF8000  }
0xf1: {  	[tilespmem:s2], [sflag:$0x7] =	stream.linear.gather [hbm4b:s29+s2], $0x400, $0x38;
	[tilespmem:$0x18C00] =	vst v63  }
0xf2: {  	_ =	swait.ge [sflag:s3], $0x400  }
0xf3: {  	[sflag:s3] =	ssyncset.done $0x0  }
0xf4: {  	[sflag:s3] =	ssyncadd.s32 $0xFFFFFC00  }
0xf5: {  	[tilespmem:s6], [sflag:$0x1] =	stream.indirect.gather [hbm4b:s4+s5], $0x20, s2, s5, $0xb8;
	[tilespmem:$0x18C00] =	vst v63  }
0xf6: {  	_ =	swait.ge [sflag:s14], $0x8000  }
0xf7: {  	[sflag:s14] =	ssyncset.done $0x0  }
0xf8: {  	[sflag:s14] =	ssyncadd.s32 $0xFFFF8000  }
0xf9: {  	[hbm4b:s30+s2] =	stream.linear.scatter [tilespmem:s10], [sflag:$0x6], $0x8000, $0x38;
	[tilespmem:$0x18C00] =	vst v63  }
0xfa: {  	_ =	swait.ge [sflag:s8], $0x8000  }
0xfb: {  	[sflag:s8] =	ssyncset.done $0x0  }
0xfc: {  	[sflag:s8] =	ssyncadd.s32 $0xFFFF8000  }
0xfd: {  	[hbm4b:s31+s2] =	stream.linear.scatter [tilespmem:s6], [sflag:$0x4], $0x8000, $0x38;
	[tilespmem:$0x18C00] =	vst v63  }
0xfe: {  	_ =	swait.ge [sflag:s16], $0x8000  }
0xff: {  	p0 =	sne.s32 s1, $0x1;
	[sflag:s16] =	ssyncset.done $0x0  }
.Ltmp1:
0x100: {  	[sflag:s16] =	ssyncadd.s32 $0xFFFF8000;
	(pc) =	sbr.rel @p0 .LBB2_1-.Ltmp1, $4  }
0x101: {  	_ =	swait.ge [sflag:s19], $0x8000  }
0x102: {  	[sflag:s19] =	ssyncset.done $0x0  }
0x103: {  	[sflag:s19] =	ssyncadd.s32 $0xFFFF8000  }
0x104: {  	s1 =	sadd.s32 $0xFFFFFFFF, s1;
	_ =	swait.ge [sflag:s12], $0x8000  }
.LBB2_2:
0x105: {  	[sflag:s12] =	ssyncset.done $0x0  }
0x106: {  	[sflag:s12] =	ssyncadd.s32 $0xFFFF8000  }
0x107: {  	_ =	sfence.sel $0x180000  }
0x108: {  	[bflag:$0x0] =	sbarrier.arrive $0xFFFF  }
0x109: {  	_ =	strace $0x90000047  }
0x10a: {  	s0 =	stileid.u32;
	[bflag:$0x2] =	sbarrier.arrive $0xFFFF  }
0x10b: {  	p0 =	sne.s32 s0, $0x0;
	s0 =	rddreg [dreg:$0x2]  }
0x10c: {  	s0 =	sadd.s32 @!p0 $0x100000, s0  }
0x10d: {  	[sflag:s0] =	ssyncadd.tile.s32 @!p0 $0x1;
	_ =	shalt  }
.Lfunc_end2:
_tile_overlayer_lowered:
.L_overlay_start_2:
0x10e: {  	(tag) =	ssettag $0x2  }
0x10f: {  	s0 =	rddreg [dreg:$0x0];
	s2 =	stileid.u32  }
0x110: {  	s1 =	rddreg [dreg:$0x1];
	p0 =	sne.s32 s2, $0x0  }
0x111: {  	s3 =	rddreg [dreg:$0x2];
	[bflag:$0x3] =	sbarrier.arrive $0xFFFF;
	s2 =	simm.s32 @!p0 $0x1C07  }
0x112: {  	[timem:s3], [sflag:s2] =	dma.local @!p0 [hbm:s0], s1  }
0x113: {  	s0 =	simm.s32 @!p0 $0x7  }
0x114: {  	_ =	swait.ge @!p0 [sflag:s0], s1  }
0x115: {  	s1 =	ssub.s32 @!p0 $0x0, s1;
	[sflag:s0] =	ssyncset.done @!p0 $0x0  }
0x116: {  	[sflag:s0] =	ssyncadd.s32 @!p0 s1  }
0x117: {  	[bflag:$0x3] =	sbarrier.arrive $0xFFFF  }
0x118: {  	_ =	shalt  }

// kernel: sparse-core-data-format-call.cloned.1.call-start
scs
called_computation_lowered:
.L_overlay_start_0:
0x0: {  	s2 =	sld [smem:$0x3FD9]  }
0x1: {  	s3 =	sld [smem:$0x3FFE];
	_ =	sdelay $0x1  }
0x2: {  	s1 =	srdreg.scid  }
0x3: {  	s0 =	sand.u32 $0x1, s1  }
0x4: {  	s18 =	sshll.u32 s0, $0xA;
	s2 =	sadd.s32 s3, s2  }
0x5: {  	s2 =	sadd.s32 s2, s18  }
0x6: {  	[smem:$0x3FC6] =	sst s2  }
0x7: {  	_ = 	snop  }
0x8: {  	s2 =	sld [smem:$0x3FD0];
	(tm) =	ssettm $0x1  }
0x9: {  	s19 =	sld [smem:$0x3FFB];
	_ =	sdelay $0x3  }
0xa: {  	_ =	strace s19  }
0xb: {  	s3 =	sld [smem:$0x3FFC];
	_ =	sdelay $0x3  }
0xc: {  	_ =	strace s3  }
0xd: {  	s3 =	sld [smem:$0x3FFD];
	_ =	sdelay $0x3  }
0xe: {  	_ =	strace s3  }
0xf: {  	_ =	strace $0x8FFFFFFF  }
0x10: {  	s20 =	sld [smem:$0x3FDB];
	_ =	sdelay $0x1  }
0x11: {  	s4 =	simm.s32 $_scs_section_size  }
0x12: {  	s5 =	simm.s32 $_size__tile_overlayer_lowered;
	s6 =	simm.s32 $_tile_overlayer_lowered  }
0x13: {  	s23 =	simm.s32 $0x1BFF;
	s22 =	sshll.u32 s6, $0x1;
	s3 =	sadd.s32 s4, s20  }
0x14: {  	s7 =	simm.s32 $0x0;
	s21 =	sshll.u32 s5, $0x1;
	s5 =	sadd.s32 s22, s3  }
0x15: {  	[timem:s7], [sflag:s23] =	dma.local [hbm:s5], s21  }
0x16: {  	_ =	swait.ge [sflag:s23], s21  }
0x17: {  	s4 =	ssub.s32 $0x0, s21;
	[sflag:s23] =	ssyncset.done $0x0  }
0x18: {  	[sflag:s23] =	ssyncadd.s32 s4;
	_ =	sdelay $0x1  }
0x19: {  	s24 =	simm.s32 $0x1B8B  }
0x1a: {  	_ =	swait.ge [sflag:s24], $0x1  }
0x1b: {  	[sflag:s24] =	ssyncset.done $0x0  }
0x1c: {  	s26 =	simm.s32 $0x1B8E;
	s25 =	sld [smem:$0x3FFE];
	[sflag:s24] =	ssyncadd.s32 $0xFFFFFFFF  }
0x1d: {  	s27 =	simm.s32 $execute0_lowered;
	[smem:$0x3FD2] =	sst s26  }
0x1e: {  	s5 =	sshll.u32 s27, $0x1;
	_ =	strace $0x80000049;
	[dreg:$0x1] =	wrdreg $0xFFFFFFFF  }
0x1f: {  	s28 =	simm.s32 $_size_execute0_lowered;
	s3 =	sadd.s32 s3, s5;
	[dreg:$0x0] =	wrdreg $0x0  }
0x20: {  	s5 =	sshll.u32 s28, $0x1;
	[dreg:$0x2] =	wrdreg s3  }
0x21: {  	[dreg:$0x3] =	wrdreg s5  }
0x22: {  	[dreg:$0x4] =	wrdreg $0xC0  }
0x23: {  	_ =	task [dreg:s7], $0x5FFFF  }
0x24: {  	[dreg:$0x1] =	wrdreg $0xFFFFFFFF  }
0x25: {  	[dreg:$0x0] =	wrdreg $0x60  }
0x26: {  	[dreg:$0x2] =	wrdreg s25  }
0x27: {  	[dreg:$0x3] =	wrdreg s2  }
0x28: {  	[dreg:$0x4] =	wrdreg $0x9  }
0x29: {  	_ =	task.clear_ibuf [dreg:s7], $0x5FFFF;
	_ =	strace $0x90000049  }
0x2a: {  	s29 =	simm.s32 $0x9;
	_ =	strace $0x8000004B  }
0x2b: {  	_ =	swait.ge [sflag:s29], $0x1  }
0x2c: {  	[sflag:s29] =	ssyncadd.s32 $0xFFFFFFFF  }
0x2d: {  	_ =	strace $0x9000004B  }
0x2e: {  	_ =	sfence  }
0x2f: {  	s30 =	sld [smem:$0x0];
	_ =	sdelay $0x2  }
0x30: {  	s31 =	sshll.u32 s1, $0xD;
	s1 =	sshrl.u32 s1, $0x2  }
0x31: {  	s3 =	sand.u32 $0x4000, s31;
	s1 =	sadd.s32 s1, s30  }
0x32: {  	s0 =	sor.u32 s3, s0;
	s1 =	sshll.u32 s1, $0x11  }
0x33: {  	s0 =	sor.u32 s1, s0  }
0x34: {  	s0 =	sadd.s32 $0x8F2B, s0  }
0x35: {  	[sflag:s0] =	ssyncadd.remote.s32 $0x1  }
0x36: {  	_ =	sfence.sel $0xFFFF  }
0x37: {  	[dreg:$0x0] =	wrdreg $0xFFFFFFFF;
	(pc) =	sbr.abs _section_cstart, $3  }
0x38: {  	[dreg:$0x1] =	wrdreg $0xFFFFFFFF  }
0x39: {  	_ =	task.clear_ibuf [dreg:s7], $0x2FFFF;
	_ =	strace $0x9FFFFFFF  }
0x3a: {  	(tm) =	ssettm $0x7FFFFFFF  }
0x3b: {  	_ =	shalt  }
tec
execute0_lowered:
.L_overlay_start_1:
0x0: {  	(tag) =	ssettag $0x1  }
0x1: {  	s0 =	srdreg.scid  }
0x2: {  	s1 =	sshll.u32 s0, $0x4  }
0x3: {  	s0 =	stileid.u32;
	s1 =	sand.u32 $0x10, s1  }
0x4: {  	s1 =	sor.u32 s0, s1  }
0x5: {  	s6 =	rddreg [dreg:$0x0];
	s4 =	simm.s32 $0x1;
	s2 =	sshll.u32 s1, $0x7  }
0x6: {  	s7 =	simm.s32 $0x2;
	s12 =	simm.s32 $0x0;
	s1 =	ssub.s32 $0x4000, s2  }
0x7: {  	s8 =	simm.s32 $0x20000;
	s13 =	simm.s32 $0x0;
	s3 =	sand.u32 $0xF80, s1  }
0x8: {  	s9 =	simm.s32 $0x0;
	s5 =	sshrl.u32 s1, $0xC;
	p0 =	sne.s32 s3, $0x0  }
.Ltmp0:
0x9: {  	s1 =	rddreg [dreg:$0x2];
	s4 =	simm.s32 @!p0 $0x0;
	(pc) =	sbr.rel .LBB1_1-.Ltmp0, $4  }
0xa: {  	s11 =	simm.s32 $0x0;
	s3 =	rddreg [dreg:$0x1];
	s5 =	sadd.s32 s4, s5  }
0xb: {  	_ =	strace $0x8000004A;
	s4 =	simm.s32 $0x1;
	s5 =	smul.u32 $0x14, s5  }
0xc: {  	s6 =	sadd.s32 $0x800, s6;
	s10 =	smov.u32 s2;
	[sflag:s4] =	ssyncpa.u1 $0x0  }
0xd: {  	p0 =	por $0x0, $0x0;
	[sflag:s7] =	ssyncpa.u1 $0x0;
	s7 =	sor.u32 $0x1, s5  }
.LBB1_4:
0xe: {  	s16 =	sshll.u32 s13, $0x3;
	s17 =	sand.u32 $0x78, s13  }
0xf: {  	s30 =	sand.u32 $0xF800, s13;
	s12 =	sshll.u32 s12, $0x10;
	s16 =	sand.u32 $0x3C00, s16  }
0x10: {  	s31 =	sand.u32 $0x7, s13;
	s16 =	sor.u32 s17, s16;
	s17 =	sadd.s32 s3, s30  }
0x11: {  	s13 =	sshll.u32 s31, $0x12;
	s16 =	sshrl.u32 s16, $0x3;
	s12 =	sadd.s32 s12, s17  }
0x12: {  	[tilespmem:s15+$0x0 ss:$0x81] =	vst.msk $0xffff, v0;
	s13 =	sor.u32 $0x400, s13;
	s12 =	sadd.s32 s16, s12  }
0x13: {  	[hbm4b:s12+s13] =	stream.strided.scatter [tilespmem:s14], [sflag:$0x2], $0x1000, s8, s13, $0x20;
	[tilespmem:$0x4040] =	vst v63  }
.LBB1_5:
0x14: {  	s14 =	sadd.s32 $0x1, s9  }
0x15: {  	s12 =	sadd.s32 $0x1000, s10;
	s16 =	smov.u32 s10;
	p2 =	sgt.s32 s14, $0x13  }
0x16: {  	s16 =	smov.u32 @p2 s12  }
0x17: {  	s14 =	simm.s32 @p2 $0x0;
	p2 =	sgt.s32 s16, $0x3FFF  }
0x18: {  	s16 =	smov.u32 @p2 s2;
	p2 =	sne.s32 s11, s7  }
.Ltmp1:
0x19: {  	p1 =	slt.u32 s11, $0x2;
	(pc) =	sbr.rel @!p2 .LBB1_6-.Ltmp1, $4  }
0x1a: {  	s15 =	simm.s32 @!p1 $0x2  }
0x1b: {  	s13 =	smov.u32 s10;
	p0 =	por !p0, !p0;
	_ =	swait.ge @!p1 [sflag:s15], $0x1000  }
0x1c: {  	s12 =	smov.u32 s9;
	[sflag:s15] =	ssyncset.done @!p1 $0x0;
	s9 =	smov.u32 s14  }
0x1d: {  	s11 =	sadd.s32 $0x1, s11;
	[sflag:s15] =	ssyncadd.s32 @!p1 $0xFFFFF000;
	s10 =	smov.u32 s16  }
.LBB1_1:
0x1e: {  	p1 =	sge.u32 s11, s5  }
0x1f: {  	s14 =	sand.u32 @!p1 $0x1FFFFFF, s9  }
0x20: {  	s15 =	smulhi.u32 @!p1 $0xAAAAAAB, s14;
	_ =	sdelay $0x1  }
0x21: {  	s15 =	smul.u32 @!p1 $0x18, s15  }
0x22: {  	s16 =	sxor.u32 @!p1 $0xFFFFFFFF, s11;
	s17 =	smul.u32 @!p1 $0x180, s10  }
0x23: {  	s31 =	sadd.s32 $0xFFFFFFFF, s11;
	s16 =	sshll.u32 @!p1 s16, $0xC;
	s14 =	ssub.s32 @!p1 s14, s15  }
0x24: {  	s15 =	sand.u32 @!p1 $0x1000, s16;
	s16 =	sadd.s32 @!p1 s6, s17;
	s14 =	sshll.u32 @!p1 s14, $0x4  }
0x25: {  	s17 =	simm.s32 @!p1 $0xC00;
	s14 =	sadd.s32 @!p1 s14, s16;
	s16 =	simm.s32 @!p1 $0x20  }
0x26: {  	[tilespmem:s15], [sflag:$0x1] =	stream.strided.gather @!p1 [hbm4b:s14+s16], $0x1000, s17, s16, $0x38;
	[tilespmem:$0x4040] =	vst v63  }
0x27: {  	p1 =	sge.u32 s31, s5  }
.Ltmp2:
0x28: {  	_ = 	snop;
	(pc) =	sbr.rel @p1 .LBB1_5-.Ltmp2, $1  }
0x29: {  	_ =	sdelay $0x3  }
0x2a: {  	s14 =	simm.s32 $0x1  }
0x2b: {  	_ =	swait.ge [sflag:s4], $0x1000;
	s14 =	simm.s32 @!p0 $0x0  }
0x2c: {  	[sflag:s4] =	ssyncset.done $0x0;
	s15 =	sshll.u32 s14, $0xC  }
0x2d: {  	[sflag:s4] =	ssyncadd.s32 $0xFFFFF000;
	s18 =	sor.u32 $0x10, s15  }
0x2e: {  	s14 =	smul.u32 $0x4080, s14;
	v1 =	vld [tilespmem:s18+$0x0]  }
0x2f: {  	s30 =	sand.u32 $0x1, s11;
	v0 =	vld [tilespmem:s18+$0xFFFFFFF0]  }
0x30: {  	s15 =	smul.u32 $0x4080, s30;
	s14 =	sshrl.u32 s14, $0x2  }
0x31: {  	s16 =	sor.u32 $0x2000, s14  }
0x32: {  	s31 =	sshrl.u32 s15, $0x2;
	s15 =	sadd.s32 $0x0, s16  }
0x33: {  	s17 =	simm.s32 $0x4;
	s18 =	sadd.s32 $0x20, s18;
	s14 =	sor.u32 $0x2000, s31;
	[tilespmem:s15+$0x810 ss:$0x81] =	vst.msk $0xffff, v1  }
.LBB1_3:
0x34: {  	v1 =	vld [tilespmem:s18+$0x0];
	p1 =	sne.s32 s17, $0x1FC;
	[tilespmem:s15+$0x0 ss:$0x81] =	vst.msk $0xffff, v0;
	s15 =	smov.u32 s17;
	s17 =	sadd.s32 $0x4, s17  }
.Ltmp3:
0x35: {  	v0 =	vld [tilespmem:s18+$0xFFFFFFF0];
	(pc) =	sbr.rel @p1 .LBB1_3-.Ltmp3, $4  }
0x36: {  	_ = 	snop  }
0x37: {  	s15 =	sshra.s32 s15, $0x2  }
0x38: {  	s15 =	sadd.s32 s15, s16  }
0x39: {  	s18 =	sadd.s32 $0x20, s18;
	[tilespmem:s15+$0x810 ss:$0x81] =	vst.msk $0xffff, v1  }
.Ltmp4:
0x3a: {  	_ = 	snop;
	(pc) =	sbr.rel .LBB1_4-.Ltmp4, $1  }
0x3b: {  	_ =	sdelay $0x3  }
.LBB1_6:
0x3c: {  	_ =	sfence.sel $0x180000  }
0x3d: {  	s2 =	simm.s32 $0x1;
	[bflag:$0x0] =	sbarrier.arrive $0xFFFF  }
0x3e: {  	s31 =	simm.s32 $0x2;
	[sflag:s2] =	ssyncpa.u1 $0x1  }
0x3f: {  	[sflag:s31] =	ssyncpa.u1 $0x1  }
0x40: {  	p0 =	sne.s32 s0, $0x0;
	_ =	strace $0x9000004A  }
0x41: {  	s0 =	sadd.s32 @!p0 $0x100000, s1;
	[bflag:$0x2] =	sbarrier.arrive $0xFFFF  }
0x42: {  	[sflag:s0] =	ssyncadd.tile.s32 @!p0 $0x1;
	_ =	shalt  }
.Lfunc_end1:
_tile_overlayer_lowered:
.L_overlay_start_2:
0x43: {  	(tag) =	ssettag $0x2  }
0x44: {  	s0 =	rddreg [dreg:$0x0];
	s2 =	stileid.u32  }
0x45: {  	s1 =	rddreg [dreg:$0x1];
	p0 =	sne.s32 s2, $0x0  }
0x46: {  	s3 =	rddreg [dreg:$0x2];
	[bflag:$0x3] =	sbarrier.arrive $0xFFFF;
	s2 =	simm.s32 @!p0 $0x1C01  }
0x47: {  	[timem:s3], [sflag:s2] =	dma.local @!p0 [hbm:s0], s1  }
0x48: {  	s0 =	simm.s32 @!p0 $0x1  }
0x49: {  	_ =	swait.ge @!p0 [sflag:s0], s1  }
0x4a: {  	s1 =	ssub.s32 @!p0 $0x0, s1;
	[sflag:s0] =	ssyncset.done @!p0 $0x0  }
0x4b: {  	[sflag:s0] =	ssyncadd.s32 @!p0 s1  }
0x4c: {  	[bflag:$0x3] =	sbarrier.arrive $0xFFFF  }
0x4d: {  	_ =	shalt  }

</sc_bundles>
